<compile_context>
chip_gen: v7x
topology: tpu7x:2x2x1
jax: 0.10.2.dev20260603
libtpu: 0.0.44.dev20260713+nightly
codegen_flags: <defaults>
</compile_context>

<pallas_src>
import functools

import jax
import jax.numpy as jnp
from jax import lax
from jax.experimental import pallas as pl
from jax.experimental.pallas import tpu as pltpu
from jax.experimental.pallas import tpu_sc as plsc

N_NODES = 10000
D = 128
E_EDGES = 320000

NC, NS = 2, 16
NW = NC * NS
K = 80
C = 125
NP = 10240
ROWS_PER_TILE = NP // NS
NR = NP // 128

_MESH = plsc.VectorSubcoreMesh(core_axis_name="c", subcore_axis_name="s")


@functools.partial(
    pl.kernel,
    out_type=jax.ShapeDtypeStruct((NC, NP, D), jnp.float32),
    mesh=_MESH,
    scratch_types=[
        pltpu.VMEM((C, K), jnp.int32),
        pltpu.VMEM((C, K), jnp.int32),
        pltpu.VMEM((K, D), jnp.float32),
        pltpu.SemaphoreType.DMA,
        pltpu.VMEM_SHARED((NP, D), jnp.float32),
    ],
)
def _sc_agg(x_hbm, src_hbm, dst_hbm, zd_hbm, agg_hbm,
            src_v, dst_v, rb, gs, acc):
  c = lax.axis_index("c")
  s = lax.axis_index("s")
  wid = c * NS + s
  r0 = s * ROWS_PER_TILE

  pltpu.sync_copy(zd_hbm.at[pl.ds(r0, ROWS_PER_TILE)],
                  acc.at[pl.ds(r0, ROWS_PER_TILE)])
  pltpu.sync_copy(src_hbm.at[wid], src_v)
  pltpu.sync_copy(dst_hbm.at[wid], dst_v)
  plsc.subcore_barrier()

  def chunk(j, carry):
    pltpu.async_copy(x_hbm.at[src_v.at[j]], rb, gs).wait()
    pltpu.sync_copy(rb, acc.at[dst_v.at[j]], add=True)
    return carry

  lax.fori_loop(0, C, chunk, 0)
  plsc.subcore_barrier()
  pltpu.sync_copy(acc.at[pl.ds(r0, ROWS_PER_TILE)],
                  agg_hbm.at[c, pl.ds(r0, ROWS_PER_TILE)])


@functools.partial(
    pl.kernel,
    out_type=jax.ShapeDtypeStruct((NC, NR, 128), jnp.float32),
    mesh=_MESH,
    compiler_params=pltpu.CompilerParams(needs_layout_passes=False),
    scratch_types=[
        pltpu.VMEM((C, K), jnp.int32),
        pltpu.VMEM((NR, 128), jnp.float32),
        pltpu.VMEM((1, NR), jnp.int32),
        pltpu.VMEM_SHARED((NR, 128), jnp.float32),
    ],
)
def _sc_cnt(dst_hbm, zd_hbm, iota_hbm, cnt_hbm, dst_v, cl_v, io_v, cacc):
  c = lax.axis_index("c")
  s = lax.axis_index("s")
  wid = c * NS + s

  pltpu.sync_copy(dst_hbm.at[wid], dst_v)
  pltpu.sync_copy(zd_hbm.at[pl.ds(0, NR)], cl_v)
  pltpu.sync_copy(iota_hbm, io_v)

  @pl.when(s == 0)
  def _():
    pltpu.sync_copy(zd_hbm.at[pl.ds(0, NR)], cacc)

  plsc.subcore_barrier()

  ones16 = jnp.ones((16,), jnp.float32)

  def chunk(j, carry):
    def sub(b, cy):
      idx = dst_v[j, pl.ds(b * 16, 16)]
      plsc.addupdate_scatter(
          cl_v,
          [lax.shift_right_logical(idx, 7), lax.bitwise_and(idx, 127)],
          ones16)
      return cy

    return lax.fori_loop(0, K // 16, sub, carry)

  lax.fori_loop(0, C, chunk, 0)
  pltpu.sync_copy(cl_v, cacc.at[io_v.at[0]], add=True)
  plsc.subcore_barrier()

  @pl.when(s == 0)
  def _():
    pltpu.sync_copy(cacc, cnt_hbm.at[c])


def _tc_layer(x, aggp, cnt, W_l, b_l, W_r, relu: bool):
  R = 1000
  grid = (N_NODES // R,)

  def body(x_ref, agg_ref, cnt_ref, wl_ref, wr_ref, b_ref, o_ref):
    agg = agg_ref[0] + agg_ref[1]
    mean = agg / jnp.maximum(cnt_ref[...], 1.0)
    dn = (((1,), (1,)), ((), ()))
    out = (lax.dot_general(mean, wl_ref[...], dn,
                           preferred_element_type=jnp.float32)
           + lax.dot_general(x_ref[...], wr_ref[...], dn,
                             preferred_element_type=jnp.float32)
           + b_ref[...])
    if relu:
      out = jnp.maximum(out, 0.0)
    o_ref[...] = out

  return pl.pallas_call(
      body,
      grid=grid,
      in_specs=[
          pl.BlockSpec((R, D), lambda i: (i, 0)),
          pl.BlockSpec((NC, R, D), lambda i: (0, i, 0)),
          pl.BlockSpec((R, 1), lambda i: (i, 0)),
          pl.BlockSpec((D, D), lambda i: (0, 0)),
          pl.BlockSpec((D, D), lambda i: (0, 0)),
          pl.BlockSpec((1, D), lambda i: (0, 0)),
      ],
      out_specs=pl.BlockSpec((R, D), lambda i: (i, 0)),
      out_shape=jax.ShapeDtypeStruct((N_NODES, D), jnp.float32),
  )(x, aggp, cnt, W_l, W_r, b_l.reshape(1, D))


def kernel(x, edge_index, W1_l, b1_l, W1_r, W2_l, b2_l, W2_r):
  src3 = edge_index[0].reshape(NW, C, K)
  dst3 = edge_index[1].reshape(NW, C, K)
  zd = jnp.zeros((NP, D), jnp.float32)
  iota = jnp.arange(NR, dtype=jnp.int32).reshape(1, NR)

  cntp = _sc_cnt(dst3, zd, iota)
  cnt = (cntp[0] + cntp[1]).reshape(NP, 1)
  agg1p = _sc_agg(x, src3, dst3, zd)
  h = _tc_layer(x, agg1p, cnt, W1_l, b1_l, W1_r, relu=True)
  agg2p = _sc_agg(h, src3, dst3, zd)
  return _tc_layer(h, agg2p, cnt, W2_l, b2_l, W2_r, relu=False)

# --- scband reference (transcript-rebuilt; emitter-appended) ---
"""Pipeline reference for scband-graph-encoder-43559558316699 (READ-ONLY COPY).

The authoritative reference and input builder live on the scoring server;
editing this copy changes nothing except your own understanding.
"""

import jax, jax.numpy as jnp
import numpy as np

N = 10000
E = 320000
D_IN = 128
D_HID = 128
D_OUT = 128


def setup_inputs(seed: int = 0) -> dict:
    key = jax.random.key(seed)
    ks = jax.random.split(key, 10)
    x = jax.random.normal(ks[0], (N, D_IN), dtype=jnp.float32)
    edge_index = jax.random.randint(ks[1], (2, E), 0, N, dtype=jnp.int32)
    s1 = 1.0 / np.sqrt(D_IN)
    s2 = 1.0 / np.sqrt(D_HID)
    W1_l = jax.random.uniform(ks[2], (D_HID, D_IN), dtype=jnp.float32, minval=-s1, maxval=s1)
    b1_l = jax.random.uniform(ks[3], (D_HID,), dtype=jnp.float32, minval=-s1, maxval=s1)
    W1_r = jax.random.uniform(ks[4], (D_HID, D_IN), dtype=jnp.float32, minval=-s1, maxval=s1)
    W2_l = jax.random.uniform(ks[5], (D_OUT, D_HID), dtype=jnp.float32, minval=-s2, maxval=s2)
    b2_l = jax.random.uniform(ks[6], (D_OUT,), dtype=jnp.float32, minval=-s2, maxval=s2)
    W2_r = jax.random.uniform(ks[7], (D_OUT, D_HID), dtype=jnp.float32, minval=-s2, maxval=s2)
    return {"x": x, "edge_index": edge_index, "W1_l": W1_l, "b1_l": b1_l, "W1_r": W1_r,
            "W2_l": W2_l, "b2_l": b2_l, "W2_r": W2_r}


def _sage_conv(x, src, dst, W_l, b_l, W_r):
    # PyG SAGEConv (mean aggregation):
    #   out = lin_l(mean_{j in N(i)} x_j) + lin_r(x_i)
    msgs = jnp.take(x, src, axis=0)                                   # gather by source node
    agg = jax.ops.segment_sum(msgs, dst, num_segments=N)              # scatter-add to dest node
    cnt = jax.ops.segment_sum(jnp.ones((src.shape[0],), x.dtype), dst, num_segments=N)
    mean = agg / jnp.clip(cnt, 1.0)[:, None]
    return mean @ W_l.T + b_l + x @ W_r.T


def reference(x, edge_index, W1_l, b1_l, W1_r, W2_l, b2_l, W2_r):
    src = edge_index[0]
    dst = edge_index[1]
    h = jax.nn.relu(_sage_conv(x, src, dst, W1_l, b1_l, W1_r))
    out = _sage_conv(h, src, dst, W2_l, b2_l, W2_r)
    return out

if __name__ == "__main__":
    import jax
    _d = setup_inputs()
    print(jax.jit(kernel)(*tuple(_d.values())))

</pallas_src>

<mosaic_0001>
#map = affine_map<(d0, d1) -> (0, 0)>
#map1 = affine_map<(d0, d1) -> (0, 0, 0)>
module attributes {stable_mosaic.version = 14 : i64} {
  func.func @_sc_agg(%arg0: i32, %arg1: i32, %arg2: memref<10000x128xf32, #tpu.memory_space<hbm>>, %arg3: memref<32x125x80xi32, #tpu.memory_space<hbm>>, %arg4: memref<32x125x80xi32, #tpu.memory_space<hbm>>, %arg5: memref<10240x128xf32, #tpu.memory_space<hbm>>, %arg6: memref<2x10240x128xf32, #tpu.memory_space<hbm>>, %arg7: memref<125x80xi32, #tpu.memory_space<vmem>>, %arg8: memref<125x80xi32, #tpu.memory_space<vmem>>, %arg9: memref<80x128xf32, #tpu.memory_space<vmem>>, %arg10: memref<!tpu.dma_semaphore, #tpu.memory_space<semaphore_mem>>, %arg11: memref<10240x128xf32, #tpu.memory_space<vmem_shared>>) attributes {dimension_semantics = [#tpu.dimension_semantics<core_parallel>, #tpu.dimension_semantics<subcore_parallel>], iteration_bounds = array<i64: 2, 16>, scalar_prefetch = 0 : i64, scratch_operands = 5 : i64, tpu.core_type = #tpu.core_type<sc_vector_subcore>, window_params = [{transform_indices = #map}, {transform_indices = #map1}, {transform_indices = #map1}, {transform_indices = #map}, {transform_indices = #map1}]} {
    %mul3A = arith.constant 16 : i32
    %mul3A_0 = arith.muli %arg0, %mul3A : i32
    %add3A = arith.addi %mul3A_0, %arg1 : i32
    %mul3A_1 = arith.constant 640 : i32
    %mul3A_2 = arith.muli %arg1, %mul3A_1 : i32
    "tpu.region"() ({
      %run_scoped3A = tpu.sem_alloc : memref<!tpu.dma_semaphore, #tpu.memory_space<semaphore_mem>>
      %dma_start3A = arith.constant 0 : i32
      %dma_start3A_9 = tpu.memref_slice %arg11[%mul3A_2, %dma_start3A] : memref<10240x128xf32, #tpu.memory_space<vmem_shared>> -> memref<640x128xf32, #tpu.memory_space<vmem_shared>>
      %dma_start3A_10 = arith.constant 0 : i32
      %dma_start3A_11 = tpu.memref_slice %arg5[%mul3A_2, %dma_start3A_10] : memref<10240x128xf32, #tpu.memory_space<hbm>> -> memref<640x128xf32, #tpu.memory_space<hbm>>
      tpu.enqueue_dma source(%dma_start3A_11 : memref<640x128xf32, #tpu.memory_space<hbm>>) target(%dma_start3A_9 : memref<640x128xf32, #tpu.memory_space<vmem_shared>>) target_semaphore(%run_scoped3A : memref<!tpu.dma_semaphore, #tpu.memory_space<semaphore_mem>>)
      %dma_wait3A = arith.constant 0 : i32
      %dma_wait3A_12 = tpu.memref_slice %arg11[%mul3A_2, %dma_wait3A] : memref<10240x128xf32, #tpu.memory_space<vmem_shared>> -> memref<640x128xf32, #tpu.memory_space<vmem_shared>>
      %dma_wait3A_13 = arith.constant 0 : i32
      %dma_wait3A_14 = tpu.memref_slice %arg5[%mul3A_2, %dma_wait3A_13] : memref<10240x128xf32, #tpu.memory_space<hbm>> -> memref<640x128xf32, #tpu.memory_space<hbm>>
      tpu.wait_dma2 semaphore(%run_scoped3A : memref<!tpu.dma_semaphore, #tpu.memory_space<semaphore_mem>>) src(%dma_wait3A_14 : memref<640x128xf32, #tpu.memory_space<hbm>>) dst(%dma_wait3A_12 : memref<640x128xf32, #tpu.memory_space<vmem_shared>>)
      tpu.yield
    }) : () -> ()
    "tpu.region"() ({
      %run_scoped3A = tpu.sem_alloc : memref<!tpu.dma_semaphore, #tpu.memory_space<semaphore_mem>>
      %dma_start3A = arith.constant 0 : i32
      %dma_start3A_9 = arith.constant 0 : i32
      %dma_start3A_10 = tpu.memref_slice %arg3[%add3A, %dma_start3A, %dma_start3A_9] : memref<32x125x80xi32, #tpu.memory_space<hbm>> -> memref<1x125x80xi32, #tpu.memory_space<hbm>>
      %dma_start3A_11 = tpu.memref_squeeze %dma_start3A_10 : memref<1x125x80xi32, #tpu.memory_space<hbm>> -> memref<125x80xi32, #tpu.memory_space<hbm>>
      %dma_start3A_12 = arith.constant 0 : i32
      %dma_start3A_13 = arith.constant 0 : i32
      %dma_start3A_14 = tpu.memref_slice %arg3[%add3A, %dma_start3A_12, %dma_start3A_13] : memref<32x125x80xi32, #tpu.memory_space<hbm>> -> memref<1x125x80xi32, #tpu.memory_space<hbm>>
      %dma_start3A_15 = tpu.memref_squeeze %dma_start3A_14 : memref<1x125x80xi32, #tpu.memory_space<hbm>> -> memref<125x80xi32, #tpu.memory_space<hbm>>
      tpu.enqueue_dma source(%dma_start3A_15 : memref<125x80xi32, #tpu.memory_space<hbm>>) target(%arg7 : memref<125x80xi32, #tpu.memory_space<vmem>>) target_semaphore(%run_scoped3A : memref<!tpu.dma_semaphore, #tpu.memory_space<semaphore_mem>>)
      %dma_wait3A = arith.constant 0 : i32
      %dma_wait3A_16 = arith.constant 0 : i32
      %dma_wait3A_17 = tpu.memref_slice %arg3[%add3A, %dma_wait3A, %dma_wait3A_16] : memref<32x125x80xi32, #tpu.memory_space<hbm>> -> memref<1x125x80xi32, #tpu.memory_space<hbm>>
      %dma_wait3A_18 = tpu.memref_squeeze %dma_wait3A_17 : memref<1x125x80xi32, #tpu.memory_space<hbm>> -> memref<125x80xi32, #tpu.memory_space<hbm>>
      %dma_wait3A_19 = arith.constant 0 : i32
      %dma_wait3A_20 = arith.constant 0 : i32
      %dma_wait3A_21 = tpu.memref_slice %arg3[%add3A, %dma_wait3A_19, %dma_wait3A_20] : memref<32x125x80xi32, #tpu.memory_space<hbm>> -> memref<1x125x80xi32, #tpu.memory_space<hbm>>
      %dma_wait3A_22 = tpu.memref_squeeze %dma_wait3A_21 : memref<1x125x80xi32, #tpu.memory_space<hbm>> -> memref<125x80xi32, #tpu.memory_space<hbm>>
      tpu.wait_dma2 semaphore(%run_scoped3A : memref<!tpu.dma_semaphore, #tpu.memory_space<semaphore_mem>>) src(%dma_wait3A_22 : memref<125x80xi32, #tpu.memory_space<hbm>>) dst(%arg7 : memref<125x80xi32, #tpu.memory_space<vmem>>)
      tpu.yield
    }) : () -> ()
    "tpu.region"() ({
      %run_scoped3A = tpu.sem_alloc : memref<!tpu.dma_semaphore, #tpu.memory_space<semaphore_mem>>
      %dma_start3A = arith.constant 0 : i32
      %dma_start3A_9 = arith.constant 0 : i32
      %dma_start3A_10 = tpu.memref_slice %arg4[%add3A, %dma_start3A, %dma_start3A_9] : memref<32x125x80xi32, #tpu.memory_space<hbm>> -> memref<1x125x80xi32, #tpu.memory_space<hbm>>
      %dma_start3A_11 = tpu.memref_squeeze %dma_start3A_10 : memref<1x125x80xi32, #tpu.memory_space<hbm>> -> memref<125x80xi32, #tpu.memory_space<hbm>>
      %dma_start3A_12 = arith.constant 0 : i32
      %dma_start3A_13 = arith.constant 0 : i32
      %dma_start3A_14 = tpu.memref_slice %arg4[%add3A, %dma_start3A_12, %dma_start3A_13] : memref<32x125x80xi32, #tpu.memory_space<hbm>> -> memref<1x125x80xi32, #tpu.memory_space<hbm>>
      %dma_start3A_15 = tpu.memref_squeeze %dma_start3A_14 : memref<1x125x80xi32, #tpu.memory_space<hbm>> -> memref<125x80xi32, #tpu.memory_space<hbm>>
      tpu.enqueue_dma source(%dma_start3A_15 : memref<125x80xi32, #tpu.memory_space<hbm>>) target(%arg8 : memref<125x80xi32, #tpu.memory_space<vmem>>) target_semaphore(%run_scoped3A : memref<!tpu.dma_semaphore, #tpu.memory_space<semaphore_mem>>)
      %dma_wait3A = arith.constant 0 : i32
      %dma_wait3A_16 = arith.constant 0 : i32
      %dma_wait3A_17 = tpu.memref_slice %arg4[%add3A, %dma_wait3A, %dma_wait3A_16] : memref<32x125x80xi32, #tpu.memory_space<hbm>> -> memref<1x125x80xi32, #tpu.memory_space<hbm>>
      %dma_wait3A_18 = tpu.memref_squeeze %dma_wait3A_17 : memref<1x125x80xi32, #tpu.memory_space<hbm>> -> memref<125x80xi32, #tpu.memory_space<hbm>>
      %dma_wait3A_19 = arith.constant 0 : i32
      %dma_wait3A_20 = arith.constant 0 : i32
      %dma_wait3A_21 = tpu.memref_slice %arg4[%add3A, %dma_wait3A_19, %dma_wait3A_20] : memref<32x125x80xi32, #tpu.memory_space<hbm>> -> memref<1x125x80xi32, #tpu.memory_space<hbm>>
      %dma_wait3A_22 = tpu.memref_squeeze %dma_wait3A_21 : memref<1x125x80xi32, #tpu.memory_space<hbm>> -> memref<125x80xi32, #tpu.memory_space<hbm>>
      tpu.wait_dma2 semaphore(%run_scoped3A : memref<!tpu.dma_semaphore, #tpu.memory_space<semaphore_mem>>) src(%dma_wait3A_22 : memref<125x80xi32, #tpu.memory_space<hbm>>) dst(%arg8 : memref<125x80xi32, #tpu.memory_space<vmem>>)
      tpu.yield
    }) : () -> ()
    %barrier3A = arith.constant 0 : index
    tpu.barrier barrier_id(%barrier3A)
    %scan3A = arith.constant 0 : i32
    %scan3A_3 = arith.constant 0 : i32
    %scan3A_4 = arith.constant 125 : i32
    %scan3A_5 = arith.addi %scan3A_3, %scan3A_4 : i32
    %scan3A_6 = arith.constant 1 : i32
    scf.for %scan3A_9 = %scan3A_3 to %scan3A_5 step %scan3A_6  : i32 {
      %dma_start3A = arith.constant 0 : i32
      %dma_start3A_10 = tpu.memref_slice %arg7[%scan3A_9, %dma_start3A] : memref<125x80xi32, #tpu.memory_space<vmem>> -> memref<1x80xi32, #tpu.memory_space<vmem>>
      %dma_start3A_11 = tpu.memref_squeeze %dma_start3A_10 : memref<1x80xi32, #tpu.memory_space<vmem>> -> memref<80xi32, #tpu.memory_space<vmem>>
      %dma_start3A_12 = arith.constant 0 : i32
      %dma_start3A_13 = arith.constant 0 : i32
      %dma_start3A_14 = tpu.memref_slice %arg2[%dma_start3A_12, %dma_start3A_13] : memref<10000x128xf32, #tpu.memory_space<hbm>> -> memref<10000x128xf32, #tpu.memory_space<hbm>>
      tpu.enqueue_indirect_dma source(%dma_start3A_14 : memref<10000x128xf32, #tpu.memory_space<hbm>>) target(%arg9 : memref<80x128xf32, #tpu.memory_space<vmem>>) offsets(%dma_start3A_11 : memref<80xi32, #tpu.memory_space<vmem>>) semaphore(%arg10 : memref<!tpu.dma_semaphore, #tpu.memory_space<semaphore_mem>>)
      %dma_wait3A = arith.constant 0 : i32
      %dma_wait3A_15 = tpu.memref_slice %arg7[%scan3A_9, %dma_wait3A] : memref<125x80xi32, #tpu.memory_space<vmem>> -> memref<1x80xi32, #tpu.memory_space<vmem>>
      %dma_wait3A_16 = tpu.memref_squeeze %dma_wait3A_15 : memref<1x80xi32, #tpu.memory_space<vmem>> -> memref<80xi32, #tpu.memory_space<vmem>>
      %dma_wait3A_17 = arith.constant 0 : i32
      %dma_wait3A_18 = arith.constant 0 : i32
      %dma_wait3A_19 = tpu.memref_slice %arg2[%dma_wait3A_17, %dma_wait3A_18] : memref<10000x128xf32, #tpu.memory_space<hbm>> -> memref<10000x128xf32, #tpu.memory_space<hbm>>
      tpu.wait_indirect_dma semaphore(%arg10 : memref<!tpu.dma_semaphore, #tpu.memory_space<semaphore_mem>>) src(%dma_wait3A_19 : memref<10000x128xf32, #tpu.memory_space<hbm>>) dst(%arg9 : memref<80x128xf32, #tpu.memory_space<vmem>>)
      "tpu.region"() ({
        %run_scoped3A = tpu.sem_alloc : memref<!tpu.dma_semaphore, #tpu.memory_space<semaphore_mem>>
        %dma_start3A_20 = arith.constant 0 : i32
        %dma_start3A_21 = tpu.memref_slice %arg8[%scan3A_9, %dma_start3A_20] : memref<125x80xi32, #tpu.memory_space<vmem>> -> memref<1x80xi32, #tpu.memory_space<vmem>>
        %dma_start3A_22 = tpu.memref_squeeze %dma_start3A_21 : memref<1x80xi32, #tpu.memory_space<vmem>> -> memref<80xi32, #tpu.memory_space<vmem>>
        %dma_start3A_23 = arith.constant 0 : i32
        %dma_start3A_24 = arith.constant 0 : i32
        %dma_start3A_25 = tpu.memref_slice %arg11[%dma_start3A_23, %dma_start3A_24] : memref<10240x128xf32, #tpu.memory_space<vmem_shared>> -> memref<10240x128xf32, #tpu.memory_space<vmem_shared>>
        tpu.enqueue_indirect_dma source(%arg9 : memref<80x128xf32, #tpu.memory_space<vmem>>) target(%dma_start3A_25 : memref<10240x128xf32, #tpu.memory_space<vmem_shared>>) offsets(%dma_start3A_22 : memref<80xi32, #tpu.memory_space<vmem>>) semaphore(%run_scoped3A : memref<!tpu.dma_semaphore, #tpu.memory_space<semaphore_mem>>) {add = true}
        %dma_wait3A_26 = arith.constant 0 : i32
        %dma_wait3A_27 = tpu.memref_slice %arg8[%scan3A_9, %dma_wait3A_26] : memref<125x80xi32, #tpu.memory_space<vmem>> -> memref<1x80xi32, #tpu.memory_space<vmem>>
        %dma_wait3A_28 = tpu.memref_squeeze %dma_wait3A_27 : memref<1x80xi32, #tpu.memory_space<vmem>> -> memref<80xi32, #tpu.memory_space<vmem>>
        %dma_wait3A_29 = arith.constant 0 : i32
        %dma_wait3A_30 = arith.constant 0 : i32
        %dma_wait3A_31 = tpu.memref_slice %arg11[%dma_wait3A_29, %dma_wait3A_30] : memref<10240x128xf32, #tpu.memory_space<vmem_shared>> -> memref<10240x128xf32, #tpu.memory_space<vmem_shared>>
        tpu.wait_indirect_dma semaphore(%run_scoped3A : memref<!tpu.dma_semaphore, #tpu.memory_space<semaphore_mem>>) src(%arg9 : memref<80x128xf32, #tpu.memory_space<vmem>>) dst(%dma_wait3A_31 : memref<10240x128xf32, #tpu.memory_space<vmem_shared>>)
        tpu.yield
      }) : () -> ()
    }
    %scan3A_7 = arith.constant 125 : i32
    %barrier3A_8 = arith.constant 0 : index
    tpu.barrier barrier_id(%barrier3A_8)
    "tpu.region"() ({
      %run_scoped3A = tpu.sem_alloc : memref<!tpu.dma_semaphore, #tpu.memory_space<semaphore_mem>>
      %dma_start3A = arith.constant 0 : i32
      %dma_start3A_9 = tpu.memref_slice %arg6[%arg0, %mul3A_2, %dma_start3A] : memref<2x10240x128xf32, #tpu.memory_space<hbm>> -> memref<1x640x128xf32, #tpu.memory_space<hbm>>
      %dma_start3A_10 = tpu.memref_squeeze %dma_start3A_9 : memref<1x640x128xf32, #tpu.memory_space<hbm>> -> memref<640x128xf32, #tpu.memory_space<hbm>>
      %dma_start3A_11 = arith.constant 0 : i32
      %dma_start3A_12 = tpu.memref_slice %arg11[%mul3A_2, %dma_start3A_11] : memref<10240x128xf32, #tpu.memory_space<vmem_shared>> -> memref<640x128xf32, #tpu.memory_space<vmem_shared>>
      tpu.enqueue_dma source(%dma_start3A_12 : memref<640x128xf32, #tpu.memory_space<vmem_shared>>) target(%dma_start3A_10 : memref<640x128xf32, #tpu.memory_space<hbm>>) target_semaphore(%run_scoped3A : memref<!tpu.dma_semaphore, #tpu.memory_space<semaphore_mem>>)
      %dma_wait3A = arith.constant 0 : i32
      %dma_wait3A_13 = tpu.memref_slice %arg6[%arg0, %mul3A_2, %dma_wait3A] : memref<2x10240x128xf32, #tpu.memory_space<hbm>> -> memref<1x640x128xf32, #tpu.memory_space<hbm>>
      %dma_wait3A_14 = tpu.memref_squeeze %dma_wait3A_13 : memref<1x640x128xf32, #tpu.memory_space<hbm>> -> memref<640x128xf32, #tpu.memory_space<hbm>>
      %dma_wait3A_15 = arith.constant 0 : i32
      %dma_wait3A_16 = tpu.memref_slice %arg11[%mul3A_2, %dma_wait3A_15] : memref<10240x128xf32, #tpu.memory_space<vmem_shared>> -> memref<640x128xf32, #tpu.memory_space<vmem_shared>>
      tpu.wait_dma2 semaphore(%run_scoped3A : memref<!tpu.dma_semaphore, #tpu.memory_space<semaphore_mem>>) src(%dma_wait3A_16 : memref<640x128xf32, #tpu.memory_space<vmem_shared>>) dst(%dma_wait3A_14 : memref<640x128xf32, #tpu.memory_space<hbm>>)
      tpu.yield
    }) : () -> ()
    return
  }
}

#map = affine_map<(d0, d1) -> (0, 0, 0)>
#map1 = affine_map<(d0, d1) -> (0, 0)>
module attributes {stable_mosaic.version = 14 : i64} {
  func.func @_sc_cnt(%arg0: i32, %arg1: i32, %arg2: memref<32x125x80xi32, #tpu.memory_space<hbm>>, %arg3: memref<10240x128xf32, #tpu.memory_space<hbm>>, %arg4: memref<1x80xi32, #tpu.memory_space<hbm>>, %arg5: memref<2x80x128xf32, #tpu.memory_space<hbm>>, %arg6: memref<125x80xi32, #tpu.memory_space<vmem>>, %arg7: memref<80x128xf32, #tpu.memory_space<vmem>>, %arg8: memref<1x80xi32, #tpu.memory_space<vmem>>, %arg9: memref<80x128xf32, #tpu.memory_space<vmem_shared>>) attributes {dimension_semantics = [#tpu.dimension_semantics<core_parallel>, #tpu.dimension_semantics<subcore_parallel>], iteration_bounds = array<i64: 2, 16>, scalar_prefetch = 0 : i64, scratch_operands = 4 : i64, tpu.core_type = #tpu.core_type<sc_vector_subcore>, window_params = [{transform_indices = #map}, {transform_indices = #map1}, {transform_indices = #map1}, {transform_indices = #map}]} {
    %mul3A = arith.constant 16 : i32
    %mul3A_0 = arith.muli %arg0, %mul3A : i32
    %add3A = arith.addi %mul3A_0, %arg1 : i32
    "tpu.region"() ({
      %run_scoped3A_15 = tpu.sem_alloc : memref<!tpu.dma_semaphore, #tpu.memory_space<semaphore_mem>>
      %dma_start3A = arith.constant 0 : i32
      %dma_start3A_16 = arith.constant 0 : i32
      %dma_start3A_17 = tpu.memref_slice %arg2[%add3A, %dma_start3A, %dma_start3A_16] : memref<32x125x80xi32, #tpu.memory_space<hbm>> -> memref<1x125x80xi32, #tpu.memory_space<hbm>>
      %dma_start3A_18 = tpu.memref_squeeze %dma_start3A_17 : memref<1x125x80xi32, #tpu.memory_space<hbm>> -> memref<125x80xi32, #tpu.memory_space<hbm>>
      %dma_start3A_19 = arith.constant 0 : i32
      %dma_start3A_20 = arith.constant 0 : i32
      %dma_start3A_21 = tpu.memref_slice %arg2[%add3A, %dma_start3A_19, %dma_start3A_20] : memref<32x125x80xi32, #tpu.memory_space<hbm>> -> memref<1x125x80xi32, #tpu.memory_space<hbm>>
      %dma_start3A_22 = tpu.memref_squeeze %dma_start3A_21 : memref<1x125x80xi32, #tpu.memory_space<hbm>> -> memref<125x80xi32, #tpu.memory_space<hbm>>
      tpu.enqueue_dma source(%dma_start3A_22 : memref<125x80xi32, #tpu.memory_space<hbm>>) target(%arg6 : memref<125x80xi32, #tpu.memory_space<vmem>>) target_semaphore(%run_scoped3A_15 : memref<!tpu.dma_semaphore, #tpu.memory_space<semaphore_mem>>)
      %dma_wait3A = arith.constant 0 : i32
      %dma_wait3A_23 = arith.constant 0 : i32
      %dma_wait3A_24 = tpu.memref_slice %arg2[%add3A, %dma_wait3A, %dma_wait3A_23] : memref<32x125x80xi32, #tpu.memory_space<hbm>> -> memref<1x125x80xi32, #tpu.memory_space<hbm>>
      %dma_wait3A_25 = tpu.memref_squeeze %dma_wait3A_24 : memref<1x125x80xi32, #tpu.memory_space<hbm>> -> memref<125x80xi32, #tpu.memory_space<hbm>>
      %dma_wait3A_26 = arith.constant 0 : i32
      %dma_wait3A_27 = arith.constant 0 : i32
      %dma_wait3A_28 = tpu.memref_slice %arg2[%add3A, %dma_wait3A_26, %dma_wait3A_27] : memref<32x125x80xi32, #tpu.memory_space<hbm>> -> memref<1x125x80xi32, #tpu.memory_space<hbm>>
      %dma_wait3A_29 = tpu.memref_squeeze %dma_wait3A_28 : memref<1x125x80xi32, #tpu.memory_space<hbm>> -> memref<125x80xi32, #tpu.memory_space<hbm>>
      tpu.wait_dma2 semaphore(%run_scoped3A_15 : memref<!tpu.dma_semaphore, #tpu.memory_space<semaphore_mem>>) src(%dma_wait3A_29 : memref<125x80xi32, #tpu.memory_space<hbm>>) dst(%arg6 : memref<125x80xi32, #tpu.memory_space<vmem>>)
      tpu.yield
    }) : () -> ()
    "tpu.region"() ({
      %run_scoped3A_15 = tpu.sem_alloc : memref<!tpu.dma_semaphore, #tpu.memory_space<semaphore_mem>>
      %dma_start3A = arith.constant 0 : i32
      %dma_start3A_16 = arith.constant 0 : i32
      %dma_start3A_17 = tpu.memref_slice %arg3[%dma_start3A, %dma_start3A_16] : memref<10240x128xf32, #tpu.memory_space<hbm>> -> memref<80x128xf32, #tpu.memory_space<hbm>>
      %dma_start3A_18 = arith.constant 0 : i32
      %dma_start3A_19 = arith.constant 0 : i32
      %dma_start3A_20 = tpu.memref_slice %arg3[%dma_start3A_18, %dma_start3A_19] : memref<10240x128xf32, #tpu.memory_space<hbm>> -> memref<80x128xf32, #tpu.memory_space<hbm>>
      tpu.enqueue_dma source(%dma_start3A_20 : memref<80x128xf32, #tpu.memory_space<hbm>>) target(%arg7 : memref<80x128xf32, #tpu.memory_space<vmem>>) target_semaphore(%run_scoped3A_15 : memref<!tpu.dma_semaphore, #tpu.memory_space<semaphore_mem>>)
      %dma_wait3A = arith.constant 0 : i32
      %dma_wait3A_21 = arith.constant 0 : i32
      %dma_wait3A_22 = tpu.memref_slice %arg3[%dma_wait3A, %dma_wait3A_21] : memref<10240x128xf32, #tpu.memory_space<hbm>> -> memref<80x128xf32, #tpu.memory_space<hbm>>
      %dma_wait3A_23 = arith.constant 0 : i32
      %dma_wait3A_24 = arith.constant 0 : i32
      %dma_wait3A_25 = tpu.memref_slice %arg3[%dma_wait3A_23, %dma_wait3A_24] : memref<10240x128xf32, #tpu.memory_space<hbm>> -> memref<80x128xf32, #tpu.memory_space<hbm>>
      tpu.wait_dma2 semaphore(%run_scoped3A_15 : memref<!tpu.dma_semaphore, #tpu.memory_space<semaphore_mem>>) src(%dma_wait3A_25 : memref<80x128xf32, #tpu.memory_space<hbm>>) dst(%arg7 : memref<80x128xf32, #tpu.memory_space<vmem>>)
      tpu.yield
    }) : () -> ()
    "tpu.region"() ({
      %run_scoped3A_15 = tpu.sem_alloc : memref<!tpu.dma_semaphore, #tpu.memory_space<semaphore_mem>>
      tpu.enqueue_dma source(%arg4 : memref<1x80xi32, #tpu.memory_space<hbm>>) target(%arg8 : memref<1x80xi32, #tpu.memory_space<vmem>>) target_semaphore(%run_scoped3A_15 : memref<!tpu.dma_semaphore, #tpu.memory_space<semaphore_mem>>)
      tpu.wait_dma2 semaphore(%run_scoped3A_15 : memref<!tpu.dma_semaphore, #tpu.memory_space<semaphore_mem>>) src(%arg4 : memref<1x80xi32, #tpu.memory_space<hbm>>) dst(%arg8 : memref<1x80xi32, #tpu.memory_space<vmem>>)
      tpu.yield
    }) : () -> ()
    %eq3A = arith.constant 0 : i32
    %eq3A_1 = arith.cmpi eq, %arg1, %eq3A : i32
    %convert_element_type3A = arith.extui %eq3A_1 : i1 to i32
    %cond3A = arith.constant 0 : i32
    %cond3A_2 = arith.cmpi ne, %convert_element_type3A, %cond3A : i32
    scf.if %cond3A_2 {
      "tpu.region"() ({
        %run_scoped3A_15 = tpu.sem_alloc : memref<!tpu.dma_semaphore, #tpu.memory_space<semaphore_mem>>
        %dma_start3A = arith.constant 0 : i32
        %dma_start3A_16 = arith.constant 0 : i32
        %dma_start3A_17 = tpu.memref_slice %arg3[%dma_start3A, %dma_start3A_16] : memref<10240x128xf32, #tpu.memory_space<hbm>> -> memref<80x128xf32, #tpu.memory_space<hbm>>
        tpu.enqueue_dma source(%dma_start3A_17 : memref<80x128xf32, #tpu.memory_space<hbm>>) target(%arg9 : memref<80x128xf32, #tpu.memory_space<vmem_shared>>) target_semaphore(%run_scoped3A_15 : memref<!tpu.dma_semaphore, #tpu.memory_space<semaphore_mem>>)
        %dma_wait3A = arith.constant 0 : i32
        %dma_wait3A_18 = arith.constant 0 : i32
        %dma_wait3A_19 = tpu.memref_slice %arg3[%dma_wait3A, %dma_wait3A_18] : memref<10240x128xf32, #tpu.memory_space<hbm>> -> memref<80x128xf32, #tpu.memory_space<hbm>>
        tpu.wait_dma2 semaphore(%run_scoped3A_15 : memref<!tpu.dma_semaphore, #tpu.memory_space<semaphore_mem>>) src(%dma_wait3A_19 : memref<80x128xf32, #tpu.memory_space<hbm>>) dst(%arg9 : memref<80x128xf32, #tpu.memory_space<vmem_shared>>)
        tpu.yield
      }) : () -> ()
    } else {
    }
    %barrier3A = arith.constant 0 : index
    tpu.barrier barrier_id(%barrier3A)
    %broadcast_in_dim3A = arith.constant 1.000000e+00 : f32
    %broadcast_in_dim3A_3 = vector.broadcast %broadcast_in_dim3A : f32 to vector<16xf32>
    %scan3A = arith.constant 0 : i32
    %scan3A_4 = arith.constant 0 : i32
    %scan3A_5 = arith.constant 125 : i32
    %scan3A_6 = arith.addi %scan3A_4, %scan3A_5 : i32
    %scan3A_7 = arith.constant 1 : i32
    scf.for %scan3A_15 = %scan3A_4 to %scan3A_6 step %scan3A_7  : i32 {
      %scan3A_16 = arith.constant 0 : i32
      %scan3A_17 = arith.constant 5 : i32
      %scan3A_18 = arith.addi %scan3A_16, %scan3A_17 : i32
      %scan3A_19 = arith.constant 1 : i32
      scf.for %scan3A_21 = %scan3A_16 to %scan3A_18 step %scan3A_19  : i32 {
        %mul3A_22 = arith.constant 16 : i32
        %mul3A_23 = arith.muli %scan3A_21, %mul3A_22 : i32
        %get3A = arith.index_cast %scan3A_15 : i32 to index
        %get3A_24 = arith.index_cast %mul3A_23 : i32 to index
        %get3A_25 = tpu.vector_load %arg6[%get3A, %get3A_24] {strides = array<i32>} : memref<125x80xi32, #tpu.memory_space<vmem>>, vector<16xi32>,
        %shift_right_logical3A = arith.constant 7 : i32
        %shift_right_logical3A_26 = vector.broadcast %shift_right_logical3A : i32 to vector<16xi32>
        %shift_right_logical3A_27 = arith.shrui %get3A_25, %shift_right_logical3A_26 : vector<16xi32>
        %and3A = arith.constant 127 : i32
        %and3A_28 = vector.broadcast %and3A : i32 to vector<16xi32>
        %and3A_29 = arith.andi %get3A_25, %and3A_28 : vector<16xi32>
        tpu.vector_store_idx %arg7[%shift_right_logical3A_27, %and3A_29], %broadcast_in_dim3A_3 {add = true} : memref<80x128xf32, #tpu.memory_space<vmem>>[vector<16xi32>, vector<16xi32>], vector<16xf32>,
      }
      %scan3A_20 = arith.constant 5 : i32
    }
    %scan3A_8 = arith.constant 125 : i32
    %run_scoped3A = arith.constant 0 : i32
    "tpu.region"() ({
      %run_scoped3A_15 = tpu.sem_alloc : memref<!tpu.dma_semaphore, #tpu.memory_space<semaphore_mem>>
      %dma_start3A = arith.constant 0 : i32
      %dma_start3A_16 = tpu.memref_slice %arg8[%run_scoped3A, %dma_start3A] : memref<1x80xi32, #tpu.memory_space<vmem>> -> memref<1x80xi32, #tpu.memory_space<vmem>>
      %dma_start3A_17 = tpu.memref_squeeze %dma_start3A_16 : memref<1x80xi32, #tpu.memory_space<vmem>> -> memref<80xi32, #tpu.memory_space<vmem>>
      %dma_start3A_18 = arith.constant 0 : i32
      %dma_start3A_19 = arith.constant 0 : i32
      %dma_start3A_20 = tpu.memref_slice %arg9[%dma_start3A_18, %dma_start3A_19] : memref<80x128xf32, #tpu.memory_space<vmem_shared>> -> memref<80x128xf32, #tpu.memory_space<vmem_shared>>
      tpu.enqueue_indirect_dma source(%arg7 : memref<80x128xf32, #tpu.memory_space<vmem>>) target(%dma_start3A_20 : memref<80x128xf32, #tpu.memory_space<vmem_shared>>) offsets(%dma_start3A_17 : memref<80xi32, #tpu.memory_space<vmem>>) semaphore(%run_scoped3A_15 : memref<!tpu.dma_semaphore, #tpu.memory_space<semaphore_mem>>) {add = true}
      %dma_wait3A = arith.constant 0 : i32
      %dma_wait3A_21 = tpu.memref_slice %arg8[%run_scoped3A, %dma_wait3A] : memref<1x80xi32, #tpu.memory_space<vmem>> -> memref<1x80xi32, #tpu.memory_space<vmem>>
      %dma_wait3A_22 = tpu.memref_squeeze %dma_wait3A_21 : memref<1x80xi32, #tpu.memory_space<vmem>> -> memref<80xi32, #tpu.memory_space<vmem>>
      %dma_wait3A_23 = arith.constant 0 : i32
      %dma_wait3A_24 = arith.constant 0 : i32
      %dma_wait3A_25 = tpu.memref_slice %arg9[%dma_wait3A_23, %dma_wait3A_24] : memref<80x128xf32, #tpu.memory_space<vmem_shared>> -> memref<80x128xf32, #tpu.memory_space<vmem_shared>>
      tpu.wait_indirect_dma semaphore(%run_scoped3A_15 : memref<!tpu.dma_semaphore, #tpu.memory_space<semaphore_mem>>) src(%arg7 : memref<80x128xf32, #tpu.memory_space<vmem>>) dst(%dma_wait3A_25 : memref<80x128xf32, #tpu.memory_space<vmem_shared>>)
      tpu.yield
    }) : () -> ()
    %barrier3A_9 = arith.constant 0 : index
    tpu.barrier barrier_id(%barrier3A_9)
    %eq3A_10 = arith.constant 0 : i32
    %eq3A_11 = arith.cmpi eq, %arg1, %eq3A_10 : i32
    %convert_element_type3A_12 = arith.extui %eq3A_11 : i1 to i32
    %cond3A_13 = arith.constant 0 : i32
    %cond3A_14 = arith.cmpi ne, %convert_element_type3A_12, %cond3A_13 : i32
    scf.if %cond3A_14 {
      "tpu.region"() ({
        %run_scoped3A_15 = tpu.sem_alloc : memref<!tpu.dma_semaphore, #tpu.memory_space<semaphore_mem>>
        %dma_start3A = arith.constant 0 : i32
        %dma_start3A_16 = arith.constant 0 : i32
        %dma_start3A_17 = tpu.memref_slice %arg5[%arg0, %dma_start3A, %dma_start3A_16] : memref<2x80x128xf32, #tpu.memory_space<hbm>> -> memref<1x80x128xf32, #tpu.memory_space<hbm>>
        %dma_start3A_18 = tpu.memref_squeeze %dma_start3A_17 : memref<1x80x128xf32, #tpu.memory_space<hbm>> -> memref<80x128xf32, #tpu.memory_space<hbm>>
        tpu.enqueue_dma source(%arg9 : memref<80x128xf32, #tpu.memory_space<vmem_shared>>) target(%dma_start3A_18 : memref<80x128xf32, #tpu.memory_space<hbm>>) target_semaphore(%run_scoped3A_15 : memref<!tpu.dma_semaphore, #tpu.memory_space<semaphore_mem>>)
        %dma_wait3A = arith.constant 0 : i32
        %dma_wait3A_19 = arith.constant 0 : i32
        %dma_wait3A_20 = tpu.memref_slice %arg5[%arg0, %dma_wait3A, %dma_wait3A_19] : memref<2x80x128xf32, #tpu.memory_space<hbm>> -> memref<1x80x128xf32, #tpu.memory_space<hbm>>
        %dma_wait3A_21 = tpu.memref_squeeze %dma_wait3A_20 : memref<1x80x128xf32, #tpu.memory_space<hbm>> -> memref<80x128xf32, #tpu.memory_space<hbm>>
        tpu.wait_dma2 semaphore(%run_scoped3A_15 : memref<!tpu.dma_semaphore, #tpu.memory_space<semaphore_mem>>) src(%arg9 : memref<80x128xf32, #tpu.memory_space<vmem_shared>>) dst(%dma_wait3A_21 : memref<80x128xf32, #tpu.memory_space<hbm>>)
        tpu.yield
      }) : () -> ()
    } else {
    }
    return
  }
}

#map = affine_map<(d0, d1) -> (0, 0)>
#map1 = affine_map<(d0, d1) -> (0, 0, 0)>
module attributes {stable_mosaic.version = 14 : i64} {
  func.func @_sc_agg(%arg0: i32, %arg1: i32, %arg2: memref<10000x128xf32, #tpu.memory_space<hbm>>, %arg3: memref<32x125x80xi32, #tpu.memory_space<hbm>>, %arg4: memref<32x125x80xi32, #tpu.memory_space<hbm>>, %arg5: memref<10240x128xf32, #tpu.memory_space<hbm>>, %arg6: memref<2x10240x128xf32, #tpu.memory_space<hbm>>, %arg7: memref<125x80xi32, #tpu.memory_space<vmem>>, %arg8: memref<125x80xi32, #tpu.memory_space<vmem>>, %arg9: memref<80x128xf32, #tpu.memory_space<vmem>>, %arg10: memref<!tpu.dma_semaphore, #tpu.memory_space<semaphore_mem>>, %arg11: memref<10240x128xf32, #tpu.memory_space<vmem_shared>>) attributes {dimension_semantics = [#tpu.dimension_semantics<core_parallel>, #tpu.dimension_semantics<subcore_parallel>], iteration_bounds = array<i64: 2, 16>, scalar_prefetch = 0 : i64, scratch_operands = 5 : i64, tpu.core_type = #tpu.core_type<sc_vector_subcore>, window_params = [{transform_indices = #map}, {transform_indices = #map1}, {transform_indices = #map1}, {transform_indices = #map}, {transform_indices = #map1}]} {
    %mul3A = arith.constant 16 : i32
    %mul3A_0 = arith.muli %arg0, %mul3A : i32
    %add3A = arith.addi %mul3A_0, %arg1 : i32
    %mul3A_1 = arith.constant 640 : i32
    %mul3A_2 = arith.muli %arg1, %mul3A_1 : i32
    "tpu.region"() ({
      %run_scoped3A = tpu.sem_alloc : memref<!tpu.dma_semaphore, #tpu.memory_space<semaphore_mem>>
      %dma_start3A = arith.constant 0 : i32
      %dma_start3A_9 = tpu.memref_slice %arg11[%mul3A_2, %dma_start3A] : memref<10240x128xf32, #tpu.memory_space<vmem_shared>> -> memref<640x128xf32, #tpu.memory_space<vmem_shared>>
      %dma_start3A_10 = arith.constant 0 : i32
      %dma_start3A_11 = tpu.memref_slice %arg5[%mul3A_2, %dma_start3A_10] : memref<10240x128xf32, #tpu.memory_space<hbm>> -> memref<640x128xf32, #tpu.memory_space<hbm>>
      tpu.enqueue_dma source(%dma_start3A_11 : memref<640x128xf32, #tpu.memory_space<hbm>>) target(%dma_start3A_9 : memref<640x128xf32, #tpu.memory_space<vmem_shared>>) target_semaphore(%run_scoped3A : memref<!tpu.dma_semaphore, #tpu.memory_space<semaphore_mem>>)
      %dma_wait3A = arith.constant 0 : i32
      %dma_wait3A_12 = tpu.memref_slice %arg11[%mul3A_2, %dma_wait3A] : memref<10240x128xf32, #tpu.memory_space<vmem_shared>> -> memref<640x128xf32, #tpu.memory_space<vmem_shared>>
      %dma_wait3A_13 = arith.constant 0 : i32
      %dma_wait3A_14 = tpu.memref_slice %arg5[%mul3A_2, %dma_wait3A_13] : memref<10240x128xf32, #tpu.memory_space<hbm>> -> memref<640x128xf32, #tpu.memory_space<hbm>>
      tpu.wait_dma2 semaphore(%run_scoped3A : memref<!tpu.dma_semaphore, #tpu.memory_space<semaphore_mem>>) src(%dma_wait3A_14 : memref<640x128xf32, #tpu.memory_space<hbm>>) dst(%dma_wait3A_12 : memref<640x128xf32, #tpu.memory_space<vmem_shared>>)
      tpu.yield
    }) : () -> ()
    "tpu.region"() ({
      %run_scoped3A = tpu.sem_alloc : memref<!tpu.dma_semaphore, #tpu.memory_space<semaphore_mem>>
      %dma_start3A = arith.constant 0 : i32
      %dma_start3A_9 = arith.constant 0 : i32
      %dma_start3A_10 = tpu.memref_slice %arg3[%add3A, %dma_start3A, %dma_start3A_9] : memref<32x125x80xi32, #tpu.memory_space<hbm>> -> memref<1x125x80xi32, #tpu.memory_space<hbm>>
      %dma_start3A_11 = tpu.memref_squeeze %dma_start3A_10 : memref<1x125x80xi32, #tpu.memory_space<hbm>> -> memref<125x80xi32, #tpu.memory_space<hbm>>
      %dma_start3A_12 = arith.constant 0 : i32
      %dma_start3A_13 = arith.constant 0 : i32
      %dma_start3A_14 = tpu.memref_slice %arg3[%add3A, %dma_start3A_12, %dma_start3A_13] : memref<32x125x80xi32, #tpu.memory_space<hbm>> -> memref<1x125x80xi32, #tpu.memory_space<hbm>>
      %dma_start3A_15 = tpu.memref_squeeze %dma_start3A_14 : memref<1x125x80xi32, #tpu.memory_space<hbm>> -> memref<125x80xi32, #tpu.memory_space<hbm>>
      tpu.enqueue_dma source(%dma_start3A_15 : memref<125x80xi32, #tpu.memory_space<hbm>>) target(%arg7 : memref<125x80xi32, #tpu.memory_space<vmem>>) target_semaphore(%run_scoped3A : memref<!tpu.dma_semaphore, #tpu.memory_space<semaphore_mem>>)
      %dma_wait3A = arith.constant 0 : i32
      %dma_wait3A_16 = arith.constant 0 : i32
      %dma_wait3A_17 = tpu.memref_slice %arg3[%add3A, %dma_wait3A, %dma_wait3A_16] : memref<32x125x80xi32, #tpu.memory_space<hbm>> -> memref<1x125x80xi32, #tpu.memory_space<hbm>>
      %dma_wait3A_18 = tpu.memref_squeeze %dma_wait3A_17 : memref<1x125x80xi32, #tpu.memory_space<hbm>> -> memref<125x80xi32, #tpu.memory_space<hbm>>
      %dma_wait3A_19 = arith.constant 0 : i32
      %dma_wait3A_20 = arith.constant 0 : i32
      %dma_wait3A_21 = tpu.memref_slice %arg3[%add3A, %dma_wait3A_19, %dma_wait3A_20] : memref<32x125x80xi32, #tpu.memory_space<hbm>> -> memref<1x125x80xi32, #tpu.memory_space<hbm>>
      %dma_wait3A_22 = tpu.memref_squeeze %dma_wait3A_21 : memref<1x125x80xi32, #tpu.memory_space<hbm>> -> memref<125x80xi32, #tpu.memory_space<hbm>>
      tpu.wait_dma2 semaphore(%run_scoped3A : memref<!tpu.dma_semaphore, #tpu.memory_space<semaphore_mem>>) src(%dma_wait3A_22 : memref<125x80xi32, #tpu.memory_space<hbm>>) dst(%arg7 : memref<125x80xi32, #tpu.memory_space<vmem>>)
      tpu.yield
    }) : () -> ()
    "tpu.region"() ({
      %run_scoped3A = tpu.sem_alloc : memref<!tpu.dma_semaphore, #tpu.memory_space<semaphore_mem>>
      %dma_start3A = arith.constant 0 : i32
      %dma_start3A_9 = arith.constant 0 : i32
      %dma_start3A_10 = tpu.memref_slice %arg4[%add3A, %dma_start3A, %dma_start3A_9] : memref<32x125x80xi32, #tpu.memory_space<hbm>> -> memref<1x125x80xi32, #tpu.memory_space<hbm>>
      %dma_start3A_11 = tpu.memref_squeeze %dma_start3A_10 : memref<1x125x80xi32, #tpu.memory_space<hbm>> -> memref<125x80xi32, #tpu.memory_space<hbm>>
      %dma_start3A_12 = arith.constant 0 : i32
      %dma_start3A_13 = arith.constant 0 : i32
      %dma_start3A_14 = tpu.memref_slice %arg4[%add3A, %dma_start3A_12, %dma_start3A_13] : memref<32x125x80xi32, #tpu.memory_space<hbm>> -> memref<1x125x80xi32, #tpu.memory_space<hbm>>
      %dma_start3A_15 = tpu.memref_squeeze %dma_start3A_14 : memref<1x125x80xi32, #tpu.memory_space<hbm>> -> memref<125x80xi32, #tpu.memory_space<hbm>>
      tpu.enqueue_dma source(%dma_start3A_15 : memref<125x80xi32, #tpu.memory_space<hbm>>) target(%arg8 : memref<125x80xi32, #tpu.memory_space<vmem>>) target_semaphore(%run_scoped3A : memref<!tpu.dma_semaphore, #tpu.memory_space<semaphore_mem>>)
      %dma_wait3A = arith.constant 0 : i32
      %dma_wait3A_16 = arith.constant 0 : i32
      %dma_wait3A_17 = tpu.memref_slice %arg4[%add3A, %dma_wait3A, %dma_wait3A_16] : memref<32x125x80xi32, #tpu.memory_space<hbm>> -> memref<1x125x80xi32, #tpu.memory_space<hbm>>
      %dma_wait3A_18 = tpu.memref_squeeze %dma_wait3A_17 : memref<1x125x80xi32, #tpu.memory_space<hbm>> -> memref<125x80xi32, #tpu.memory_space<hbm>>
      %dma_wait3A_19 = arith.constant 0 : i32
      %dma_wait3A_20 = arith.constant 0 : i32
      %dma_wait3A_21 = tpu.memref_slice %arg4[%add3A, %dma_wait3A_19, %dma_wait3A_20] : memref<32x125x80xi32, #tpu.memory_space<hbm>> -> memref<1x125x80xi32, #tpu.memory_space<hbm>>
      %dma_wait3A_22 = tpu.memref_squeeze %dma_wait3A_21 : memref<1x125x80xi32, #tpu.memory_space<hbm>> -> memref<125x80xi32, #tpu.memory_space<hbm>>
      tpu.wait_dma2 semaphore(%run_scoped3A : memref<!tpu.dma_semaphore, #tpu.memory_space<semaphore_mem>>) src(%dma_wait3A_22 : memref<125x80xi32, #tpu.memory_space<hbm>>) dst(%arg8 : memref<125x80xi32, #tpu.memory_space<vmem>>)
      tpu.yield
    }) : () -> ()
    %barrier3A = arith.constant 0 : index
    tpu.barrier barrier_id(%barrier3A)
    %scan3A = arith.constant 0 : i32
    %scan3A_3 = arith.constant 0 : i32
    %scan3A_4 = arith.constant 125 : i32
    %scan3A_5 = arith.addi %scan3A_3, %scan3A_4 : i32
    %scan3A_6 = arith.constant 1 : i32
    scf.for %scan3A_9 = %scan3A_3 to %scan3A_5 step %scan3A_6  : i32 {
      %dma_start3A = arith.constant 0 : i32
      %dma_start3A_10 = tpu.memref_slice %arg7[%scan3A_9, %dma_start3A] : memref<125x80xi32, #tpu.memory_space<vmem>> -> memref<1x80xi32, #tpu.memory_space<vmem>>
      %dma_start3A_11 = tpu.memref_squeeze %dma_start3A_10 : memref<1x80xi32, #tpu.memory_space<vmem>> -> memref<80xi32, #tpu.memory_space<vmem>>
      %dma_start3A_12 = arith.constant 0 : i32
      %dma_start3A_13 = arith.constant 0 : i32
      %dma_start3A_14 = tpu.memref_slice %arg2[%dma_start3A_12, %dma_start3A_13] : memref<10000x128xf32, #tpu.memory_space<hbm>> -> memref<10000x128xf32, #tpu.memory_space<hbm>>
      tpu.enqueue_indirect_dma source(%dma_start3A_14 : memref<10000x128xf32, #tpu.memory_space<hbm>>) target(%arg9 : memref<80x128xf32, #tpu.memory_space<vmem>>) offsets(%dma_start3A_11 : memref<80xi32, #tpu.memory_space<vmem>>) semaphore(%arg10 : memref<!tpu.dma_semaphore, #tpu.memory_space<semaphore_mem>>)
      %dma_wait3A = arith.constant 0 : i32
      %dma_wait3A_15 = tpu.memref_slice %arg7[%scan3A_9, %dma_wait3A] : memref<125x80xi32, #tpu.memory_space<vmem>> -> memref<1x80xi32, #tpu.memory_space<vmem>>
      %dma_wait3A_16 = tpu.memref_squeeze %dma_wait3A_15 : memref<1x80xi32, #tpu.memory_space<vmem>> -> memref<80xi32, #tpu.memory_space<vmem>>
      %dma_wait3A_17 = arith.constant 0 : i32
      %dma_wait3A_18 = arith.constant 0 : i32
      %dma_wait3A_19 = tpu.memref_slice %arg2[%dma_wait3A_17, %dma_wait3A_18] : memref<10000x128xf32, #tpu.memory_space<hbm>> -> memref<10000x128xf32, #tpu.memory_space<hbm>>
      tpu.wait_indirect_dma semaphore(%arg10 : memref<!tpu.dma_semaphore, #tpu.memory_space<semaphore_mem>>) src(%dma_wait3A_19 : memref<10000x128xf32, #tpu.memory_space<hbm>>) dst(%arg9 : memref<80x128xf32, #tpu.memory_space<vmem>>)
      "tpu.region"() ({
        %run_scoped3A = tpu.sem_alloc : memref<!tpu.dma_semaphore, #tpu.memory_space<semaphore_mem>>
        %dma_start3A_20 = arith.constant 0 : i32
        %dma_start3A_21 = tpu.memref_slice %arg8[%scan3A_9, %dma_start3A_20] : memref<125x80xi32, #tpu.memory_space<vmem>> -> memref<1x80xi32, #tpu.memory_space<vmem>>
        %dma_start3A_22 = tpu.memref_squeeze %dma_start3A_21 : memref<1x80xi32, #tpu.memory_space<vmem>> -> memref<80xi32, #tpu.memory_space<vmem>>
        %dma_start3A_23 = arith.constant 0 : i32
        %dma_start3A_24 = arith.constant 0 : i32
        %dma_start3A_25 = tpu.memref_slice %arg11[%dma_start3A_23, %dma_start3A_24] : memref<10240x128xf32, #tpu.memory_space<vmem_shared>> -> memref<10240x128xf32, #tpu.memory_space<vmem_shared>>
        tpu.enqueue_indirect_dma source(%arg9 : memref<80x128xf32, #tpu.memory_space<vmem>>) target(%dma_start3A_25 : memref<10240x128xf32, #tpu.memory_space<vmem_shared>>) offsets(%dma_start3A_22 : memref<80xi32, #tpu.memory_space<vmem>>) semaphore(%run_scoped3A : memref<!tpu.dma_semaphore, #tpu.memory_space<semaphore_mem>>) {add = true}
        %dma_wait3A_26 = arith.constant 0 : i32
        %dma_wait3A_27 = tpu.memref_slice %arg8[%scan3A_9, %dma_wait3A_26] : memref<125x80xi32, #tpu.memory_space<vmem>> -> memref<1x80xi32, #tpu.memory_space<vmem>>
        %dma_wait3A_28 = tpu.memref_squeeze %dma_wait3A_27 : memref<1x80xi32, #tpu.memory_space<vmem>> -> memref<80xi32, #tpu.memory_space<vmem>>
        %dma_wait3A_29 = arith.constant 0 : i32
        %dma_wait3A_30 = arith.constant 0 : i32
        %dma_wait3A_31 = tpu.memref_slice %arg11[%dma_wait3A_29, %dma_wait3A_30] : memref<10240x128xf32, #tpu.memory_space<vmem_shared>> -> memref<10240x128xf32, #tpu.memory_space<vmem_shared>>
        tpu.wait_indirect_dma semaphore(%run_scoped3A : memref<!tpu.dma_semaphore, #tpu.memory_space<semaphore_mem>>) src(%arg9 : memref<80x128xf32, #tpu.memory_space<vmem>>) dst(%dma_wait3A_31 : memref<10240x128xf32, #tpu.memory_space<vmem_shared>>)
        tpu.yield
      }) : () -> ()
    }
    %scan3A_7 = arith.constant 125 : i32
    %barrier3A_8 = arith.constant 0 : index
    tpu.barrier barrier_id(%barrier3A_8)
    "tpu.region"() ({
      %run_scoped3A = tpu.sem_alloc : memref<!tpu.dma_semaphore, #tpu.memory_space<semaphore_mem>>
      %dma_start3A = arith.constant 0 : i32
      %dma_start3A_9 = tpu.memref_slice %arg6[%arg0, %mul3A_2, %dma_start3A] : memref<2x10240x128xf32, #tpu.memory_space<hbm>> -> memref<1x640x128xf32, #tpu.memory_space<hbm>>
      %dma_start3A_10 = tpu.memref_squeeze %dma_start3A_9 : memref<1x640x128xf32, #tpu.memory_space<hbm>> -> memref<640x128xf32, #tpu.memory_space<hbm>>
      %dma_start3A_11 = arith.constant 0 : i32
      %dma_start3A_12 = tpu.memref_slice %arg11[%mul3A_2, %dma_start3A_11] : memref<10240x128xf32, #tpu.memory_space<vmem_shared>> -> memref<640x128xf32, #tpu.memory_space<vmem_shared>>
      tpu.enqueue_dma source(%dma_start3A_12 : memref<640x128xf32, #tpu.memory_space<vmem_shared>>) target(%dma_start3A_10 : memref<640x128xf32, #tpu.memory_space<hbm>>) target_semaphore(%run_scoped3A : memref<!tpu.dma_semaphore, #tpu.memory_space<semaphore_mem>>)
      %dma_wait3A = arith.constant 0 : i32
      %dma_wait3A_13 = tpu.memref_slice %arg6[%arg0, %mul3A_2, %dma_wait3A] : memref<2x10240x128xf32, #tpu.memory_space<hbm>> -> memref<1x640x128xf32, #tpu.memory_space<hbm>>
      %dma_wait3A_14 = tpu.memref_squeeze %dma_wait3A_13 : memref<1x640x128xf32, #tpu.memory_space<hbm>> -> memref<640x128xf32, #tpu.memory_space<hbm>>
      %dma_wait3A_15 = arith.constant 0 : i32
      %dma_wait3A_16 = tpu.memref_slice %arg11[%mul3A_2, %dma_wait3A_15] : memref<10240x128xf32, #tpu.memory_space<vmem_shared>> -> memref<640x128xf32, #tpu.memory_space<vmem_shared>>
      tpu.wait_dma2 semaphore(%run_scoped3A : memref<!tpu.dma_semaphore, #tpu.memory_space<semaphore_mem>>) src(%dma_wait3A_16 : memref<640x128xf32, #tpu.memory_space<vmem_shared>>) dst(%dma_wait3A_14 : memref<640x128xf32, #tpu.memory_space<hbm>>)
      tpu.yield
    }) : () -> ()
    return
  }
}

module attributes {stable_mosaic.version = 14 : i64} {
  func.func @body(%arg0: i32, %arg1: memref<1000x128xf32, #tpu.memory_space<vmem>>, %arg2: memref<2x1000x128xf32, #tpu.memory_space<vmem>>, %arg3: memref<1000x1xf32, #tpu.memory_space<vmem>>, %arg4: memref<128x128xf32, #tpu.memory_space<vmem>>, %arg5: memref<128x128xf32, #tpu.memory_space<vmem>>, %arg6: memref<1x128xf32, #tpu.memory_space<vmem>>, %arg7: memref<1000x128xf32, #tpu.memory_space<vmem>>) attributes {dimension_semantics = [#tpu.dimension_semantics<arbitrary>], iteration_bounds = array<i64: 10>, scalar_prefetch = 0 : i64, scratch_operands = 0 : i64, tpu.core_type = #tpu.core_type<tc>, window_params = [{transform_indices = @transform_0, window_bounds = array<i64: 1000, 128>}, {transform_indices = @transform_1, window_bounds = array<i64: 2, 1000, 128>}, {transform_indices = @transform_2, window_bounds = array<i64: 1000, 1>}, {pipeline_mode = #tpu.pipeline_mode<synchronous>, transform_indices = @transform_3, window_bounds = array<i64: 128, 128>}, {pipeline_mode = #tpu.pipeline_mode<synchronous>, transform_indices = @transform_4, window_bounds = array<i64: 128, 128>}, {pipeline_mode = #tpu.pipeline_mode<synchronous>, transform_indices = @transform_5, window_bounds = array<i64: 1, 128>}, {transform_indices = @transform_6, window_bounds = array<i64: 1000, 128>}]} {
    %get3A = arith.constant 0 : index
    %get3A_0 = arith.constant 0 : index
    %get3A_1 = arith.constant 0 : index
    %get3A_2 = vector.load %arg2[%get3A, %get3A_0, %get3A_1] : memref<2x1000x128xf32, #tpu.memory_space<vmem>>, vector<1x1000x128xf32>
    %get3A_3 = vector.shape_cast %get3A_2 : vector<1x1000x128xf32> to vector<1000x128xf32>
    %get3A_4 = arith.constant 1 : index
    %get3A_5 = arith.constant 0 : index
    %get3A_6 = arith.constant 0 : index
    %get3A_7 = vector.load %arg2[%get3A_4, %get3A_5, %get3A_6] : memref<2x1000x128xf32, #tpu.memory_space<vmem>>, vector<1x1000x128xf32>
    %get3A_8 = vector.shape_cast %get3A_7 : vector<1x1000x128xf32> to vector<1000x128xf32>
    %add3A = arith.addf %get3A_3, %get3A_8 : vector<1000x128xf32>
    %get3A_9 = arith.constant 0 : index
    %get3A_10 = arith.constant 0 : index
    %get3A_11 = vector.load %arg3[%get3A_9, %get3A_10] : memref<1000x1xf32, #tpu.memory_space<vmem>>, vector<1000x1xf32>
    %max3A = arith.constant 1.000000e+00 : f32
    %max3A_12 = vector.broadcast %max3A : f32 to vector<1000x1xf32>
    %max3A_13 = arith.maximumf %get3A_11, %max3A_12 : vector<1000x1xf32>
    %div3A = vector.broadcast %max3A_13 : vector<1000x1xf32> to vector<1000x128xf32>
    %div3A_14 = arith.divf %add3A, %div3A : vector<1000x128xf32>
    %get3A_15 = arith.constant 0 : index
    %get3A_16 = arith.constant 0 : index
    %get3A_17 = vector.load %arg4[%get3A_15, %get3A_16] : memref<128x128xf32, #tpu.memory_space<vmem>>, vector<128x128xf32>
    %dot_general3A = arith.constant dense<0.000000e+00> : vector<1000x128xf32>
    %dot_general3A_18 = tpu.matmul %div3A_14, %get3A_17, %dot_general3A {dimension_numbers = #tpu.dot_dimension_numbers<[1], [1], [0], [0], [0, 0, 1, 0], [], []>, transpose_lhs_hint = false} : vector<1000x128xf32>, vector<128x128xf32>, vector<1000x128xf32> -> vector<1000x128xf32>
    %get3A_19 = arith.constant 0 : index
    %get3A_20 = arith.constant 0 : index
    %get3A_21 = vector.load %arg1[%get3A_19, %get3A_20] : memref<1000x128xf32, #tpu.memory_space<vmem>>, vector<1000x128xf32>
    %get3A_22 = arith.constant 0 : index
    %get3A_23 = arith.constant 0 : index
    %get3A_24 = vector.load %arg5[%get3A_22, %get3A_23] : memref<128x128xf32, #tpu.memory_space<vmem>>, vector<128x128xf32>
    %dot_general3A_25 = arith.constant dense<0.000000e+00> : vector<1000x128xf32>
    %dot_general3A_26 = tpu.matmul %get3A_21, %get3A_24, %dot_general3A_25 {dimension_numbers = #tpu.dot_dimension_numbers<[1], [1], [0], [0], [0, 0, 1, 0], [], []>, transpose_lhs_hint = false} : vector<1000x128xf32>, vector<128x128xf32>, vector<1000x128xf32> -> vector<1000x128xf32>
    %add3A_27 = arith.addf %dot_general3A_18, %dot_general3A_26 : vector<1000x128xf32>
    %get3A_28 = arith.constant 0 : index
    %get3A_29 = arith.constant 0 : index
    %get3A_30 = vector.load %arg6[%get3A_28, %get3A_29] : memref<1x128xf32, #tpu.memory_space<vmem>>, vector<1x128xf32>
    %add3A_31 = vector.broadcast %get3A_30 : vector<1x128xf32> to vector<1000x128xf32>
    %add3A_32 = arith.addf %add3A_27, %add3A_31 : vector<1000x128xf32>
    %max3A_33 = arith.constant 0.000000e+00 : f32
    %max3A_34 = vector.broadcast %max3A_33 : f32 to vector<1000x128xf32>
    %max3A_35 = arith.maximumf %add3A_32, %max3A_34 : vector<1000x128xf32>
    %swap3A = arith.constant 0 : index
    %swap3A_36 = arith.constant 0 : index
    %swap3A_37 = vector.load %arg7[%swap3A, %swap3A_36] : memref<1000x128xf32, #tpu.memory_space<vmem>>, vector<1000x128xf32>
    tpu.vector_store %arg7[%swap3A, %swap3A_36], %max3A_35 {strides = array<i32>} : memref<1000x128xf32, #tpu.memory_space<vmem>>, vector<1000x128xf32>,
    return
  }
  func.func @transform_0(%arg0: i32) -> (i32, i32) {
    %c0_i32 = arith.constant 0 : i32
    %c0_i32_0 = arith.constant 0 : i32
    return %arg0, %c0_i32 : i32, i32
  }
  func.func @transform_1(%arg0: i32) -> (i32, i32, i32) {
    %c0_i32 = arith.constant 0 : i32
    %c0_i32_0 = arith.constant 0 : i32
    %c0_i32_1 = arith.constant 0 : i32
    return %c0_i32, %arg0, %c0_i32_0 : i32, i32, i32
  }
  func.func @transform_2(%arg0: i32) -> (i32, i32) {
    %c0_i32 = arith.constant 0 : i32
    %c0_i32_0 = arith.constant 0 : i32
    return %arg0, %c0_i32 : i32, i32
  }
  func.func @transform_3(%arg0: i32) -> (i32, i32) {
    %c0_i32 = arith.constant 0 : i32
    %c0_i32_0 = arith.constant 0 : i32
    %c0_i32_1 = arith.constant 0 : i32
    return %c0_i32, %c0_i32_0 : i32, i32
  }
  func.func @transform_4(%arg0: i32) -> (i32, i32) {
    %c0_i32 = arith.constant 0 : i32
    %c0_i32_0 = arith.constant 0 : i32
    %c0_i32_1 = arith.constant 0 : i32
    return %c0_i32, %c0_i32_0 : i32, i32
  }
  func.func @transform_5(%arg0: i32) -> (i32, i32) {
    %c0_i32 = arith.constant 0 : i32
    %c0_i32_0 = arith.constant 0 : i32
    %c0_i32_1 = arith.constant 0 : i32
    return %c0_i32, %c0_i32_0 : i32, i32
  }
  func.func @transform_6(%arg0: i32) -> (i32, i32) {
    %c0_i32 = arith.constant 0 : i32
    %c0_i32_0 = arith.constant 0 : i32
    return %arg0, %c0_i32 : i32, i32
  }
}

module attributes {stable_mosaic.version = 14 : i64} {
  func.func @body(%arg0: i32, %arg1: memref<1000x128xf32, #tpu.memory_space<vmem>>, %arg2: memref<2x1000x128xf32, #tpu.memory_space<vmem>>, %arg3: memref<1000x1xf32, #tpu.memory_space<vmem>>, %arg4: memref<128x128xf32, #tpu.memory_space<vmem>>, %arg5: memref<128x128xf32, #tpu.memory_space<vmem>>, %arg6: memref<1x128xf32, #tpu.memory_space<vmem>>, %arg7: memref<1000x128xf32, #tpu.memory_space<vmem>>) attributes {dimension_semantics = [#tpu.dimension_semantics<arbitrary>], iteration_bounds = array<i64: 10>, scalar_prefetch = 0 : i64, scratch_operands = 0 : i64, tpu.core_type = #tpu.core_type<tc>, window_params = [{transform_indices = @transform_0, window_bounds = array<i64: 1000, 128>}, {transform_indices = @transform_1, window_bounds = array<i64: 2, 1000, 128>}, {transform_indices = @transform_2, window_bounds = array<i64: 1000, 1>}, {pipeline_mode = #tpu.pipeline_mode<synchronous>, transform_indices = @transform_3, window_bounds = array<i64: 128, 128>}, {pipeline_mode = #tpu.pipeline_mode<synchronous>, transform_indices = @transform_4, window_bounds = array<i64: 128, 128>}, {pipeline_mode = #tpu.pipeline_mode<synchronous>, transform_indices = @transform_5, window_bounds = array<i64: 1, 128>}, {transform_indices = @transform_6, window_bounds = array<i64: 1000, 128>}]} {
    %get3A = arith.constant 0 : index
    %get3A_0 = arith.constant 0 : index
    %get3A_1 = arith.constant 0 : index
    %get3A_2 = vector.load %arg2[%get3A, %get3A_0, %get3A_1] : memref<2x1000x128xf32, #tpu.memory_space<vmem>>, vector<1x1000x128xf32>
    %get3A_3 = vector.shape_cast %get3A_2 : vector<1x1000x128xf32> to vector<1000x128xf32>
    %get3A_4 = arith.constant 1 : index
    %get3A_5 = arith.constant 0 : index
    %get3A_6 = arith.constant 0 : index
    %get3A_7 = vector.load %arg2[%get3A_4, %get3A_5, %get3A_6] : memref<2x1000x128xf32, #tpu.memory_space<vmem>>, vector<1x1000x128xf32>
    %get3A_8 = vector.shape_cast %get3A_7 : vector<1x1000x128xf32> to vector<1000x128xf32>
    %add3A = arith.addf %get3A_3, %get3A_8 : vector<1000x128xf32>
    %get3A_9 = arith.constant 0 : index
    %get3A_10 = arith.constant 0 : index
    %get3A_11 = vector.load %arg3[%get3A_9, %get3A_10] : memref<1000x1xf32, #tpu.memory_space<vmem>>, vector<1000x1xf32>
    %max3A = arith.constant 1.000000e+00 : f32
    %max3A_12 = vector.broadcast %max3A : f32 to vector<1000x1xf32>
    %max3A_13 = arith.maximumf %get3A_11, %max3A_12 : vector<1000x1xf32>
    %div3A = vector.broadcast %max3A_13 : vector<1000x1xf32> to vector<1000x128xf32>
    %div3A_14 = arith.divf %add3A, %div3A : vector<1000x128xf32>
    %get3A_15 = arith.constant 0 : index
    %get3A_16 = arith.constant 0 : index
    %get3A_17 = vector.load %arg4[%get3A_15, %get3A_16] : memref<128x128xf32, #tpu.memory_space<vmem>>, vector<128x128xf32>
    %dot_general3A = arith.constant dense<0.000000e+00> : vector<1000x128xf32>
    %dot_general3A_18 = tpu.matmul %div3A_14, %get3A_17, %dot_general3A {dimension_numbers = #tpu.dot_dimension_numbers<[1], [1], [0], [0], [0, 0, 1, 0], [], []>, transpose_lhs_hint = false} : vector<1000x128xf32>, vector<128x128xf32>, vector<1000x128xf32> -> vector<1000x128xf32>
    %get3A_19 = arith.constant 0 : index
    %get3A_20 = arith.constant 0 : index
    %get3A_21 = vector.load %arg1[%get3A_19, %get3A_20] : memref<1000x128xf32, #tpu.memory_space<vmem>>, vector<1000x128xf32>
    %get3A_22 = arith.constant 0 : index
    %get3A_23 = arith.constant 0 : index
    %get3A_24 = vector.load %arg5[%get3A_22, %get3A_23] : memref<128x128xf32, #tpu.memory_space<vmem>>, vector<128x128xf32>
    %dot_general3A_25 = arith.constant dense<0.000000e+00> : vector<1000x128xf32>
    %dot_general3A_26 = tpu.matmul %get3A_21, %get3A_24, %dot_general3A_25 {dimension_numbers = #tpu.dot_dimension_numbers<[1], [1], [0], [0], [0, 0, 1, 0], [], []>, transpose_lhs_hint = false} : vector<1000x128xf32>, vector<128x128xf32>, vector<1000x128xf32> -> vector<1000x128xf32>
    %add3A_27 = arith.addf %dot_general3A_18, %dot_general3A_26 : vector<1000x128xf32>
    %get3A_28 = arith.constant 0 : index
    %get3A_29 = arith.constant 0 : index
    %get3A_30 = vector.load %arg6[%get3A_28, %get3A_29] : memref<1x128xf32, #tpu.memory_space<vmem>>, vector<1x128xf32>
    %add3A_31 = vector.broadcast %get3A_30 : vector<1x128xf32> to vector<1000x128xf32>
    %add3A_32 = arith.addf %add3A_27, %add3A_31 : vector<1000x128xf32>
    %swap3A = arith.constant 0 : index
    %swap3A_33 = arith.constant 0 : index
    %swap3A_34 = vector.load %arg7[%swap3A, %swap3A_33] : memref<1000x128xf32, #tpu.memory_space<vmem>>, vector<1000x128xf32>
    tpu.vector_store %arg7[%swap3A, %swap3A_33], %add3A_32 {strides = array<i32>} : memref<1000x128xf32, #tpu.memory_space<vmem>>, vector<1000x128xf32>,
    return
  }
  func.func @transform_0(%arg0: i32) -> (i32, i32) {
    %c0_i32 = arith.constant 0 : i32
    %c0_i32_0 = arith.constant 0 : i32
    return %arg0, %c0_i32 : i32, i32
  }
  func.func @transform_1(%arg0: i32) -> (i32, i32, i32) {
    %c0_i32 = arith.constant 0 : i32
    %c0_i32_0 = arith.constant 0 : i32
    %c0_i32_1 = arith.constant 0 : i32
    return %c0_i32, %arg0, %c0_i32_0 : i32, i32, i32
  }
  func.func @transform_2(%arg0: i32) -> (i32, i32) {
    %c0_i32 = arith.constant 0 : i32
    %c0_i32_0 = arith.constant 0 : i32
    return %arg0, %c0_i32 : i32, i32
  }
  func.func @transform_3(%arg0: i32) -> (i32, i32) {
    %c0_i32 = arith.constant 0 : i32
    %c0_i32_0 = arith.constant 0 : i32
    %c0_i32_1 = arith.constant 0 : i32
    return %c0_i32, %c0_i32_0 : i32, i32
  }
  func.func @transform_4(%arg0: i32) -> (i32, i32) {
    %c0_i32 = arith.constant 0 : i32
    %c0_i32_0 = arith.constant 0 : i32
    %c0_i32_1 = arith.constant 0 : i32
    return %c0_i32, %c0_i32_0 : i32, i32
  }
  func.func @transform_5(%arg0: i32) -> (i32, i32) {
    %c0_i32 = arith.constant 0 : i32
    %c0_i32_0 = arith.constant 0 : i32
    %c0_i32_1 = arith.constant 0 : i32
    return %c0_i32, %c0_i32_0 : i32, i32
  }
  func.func @transform_6(%arg0: i32) -> (i32, i32) {
    %c0_i32 = arith.constant 0 : i32
    %c0_i32_0 = arith.constant 0 : i32
    return %arg0, %c0_i32 : i32, i32
  }
}

</mosaic_0001>

<sc_bundles>
// kernel: kernel.10.cloned.1.call-start
scs
__scs_entry_jumppad:
0x0: {  	(pc) =	sbr.rel $0x88, $3  }
0x1: {  	(tag) =	ssettag $0x0;
	lr =	simm.s32 $0x1  }
0x2: {  	[smem:$0x3F99] =	sst lr;
	_ =	strace $0xD0000000  }
0x3: {  	_ = 	snop  }
0x4: {  	_ = 	snop  }
0x5: {  	_ = 	snop  }
0x6: {  	_ = 	snop  }
0x7: {  	_ = 	snop  }
__scs_overlays_trampoline_lowered:
0x8: {  	[smem:$0x3FA8] =	sst s0  }
0x9: {  	[smem:$0x3FA9] =	sst s1  }
0xa: {  	[smem:$0x3FAA] =	sst s2  }
0xb: {  	[smem:$0x3FAB] =	sst s3  }
0xc: {  	[smem:$0x3FAC] =	sst s4  }
0xd: {  	[smem:$0x3FAD] =	sst s5  }
0xe: {  	[smem:$0x3FAE] =	sst s6  }
0xf: {  	[smem:$0x3FAF] =	sst s7  }
0x10: {  	[smem:$0x3FB0] =	sst s8  }
0x11: {  	[smem:$0x3FB1] =	sst s9;
	s0 =	simm.s32 @!p0 $0x0  }
0x12: {  	s1 =	sld [smem:$0x3F97];
	s0 =	simm.s32 @p0 $0x1  }
0x13: {  	[smem:$0x3FB2] =	sst s0;
	s0 =	simm.s32 @!p1 $0x0  }
0x14: {  	s2 =	sld [smem:$0x3F96];
	s0 =	simm.s32 @p1 $0x1  }
0x15: {  	[smem:$0x3FB3] =	sst s0;
	s0 =	simm.s32 @!p2 $0x0  }
0x16: {  	s3 =	sld [smem:$0x3FDB];
	s0 =	simm.s32 @p2 $0x1  }
0x17: {  	s4 =	simm.s32 $0x1BF5;
	[smem:$0x3FB5] =	sst s0  }
0x18: {  	s0 =	sld [smem:$0x3F98];
	_ =	swait.ge [sflag:s4], $0x0  }
0x19: {  	s7 =	sld [smem:$0x3F99]  }
0x1a: {  	s8 =	sadd.s32 $0xFFFFE003, lr  }
0x1b: {  	s9 =	sadd.s32 $0xFFFFFEF7, lr;
	s5 =	simm.s32 $0xFFFFFFFF;
	p2 =	slt.u32 s8, $0xFFFFF086  }
0x1c: {  	p1 =	slt.u32 s9, $0xF7A;
	s5 =	simm.s32 @!p2 $0x0  }
0x1d: {  	s5 =	simm.s32 @p1 $0x1;
	p0 =	seq.s32 s7, s2  }
0x1e: {  	s7 =	smul.u32 @!p0 $0xF7A, s2;
	p2 =	seq.s32 @!p0 s5, $0x0  }
0x1f: {  	s9 =	smul.u32 $0xF7A, s1;
	s8 =	simm.s32 @!p0 $0x1BF5;
	p2 =	por !p2, p0  }
0x20: {  	[sflag:s8] =	ssyncset.s32 @!p0 $0xFFFFF086;
	s6 =	sadd.s32 @!p0 s3, s7;
	s7 =	simm.s32 @!p0 $0x108  }
0x21: {  	s3 =	sadd.s32 s3, s9;
	s6 =	sadd.s32 @!p0 $0x88, s6;
	s7 =	simm.s32 @p2 $0x1082  }
0x22: {  	[simem:s7], [sflag:s8] =	dma.local @!p0 [hbm:s6], $0xF7A  }
0x23: {  	s9 =	sor.u32 $0xD0000000, s2;
	s6 =	simm.s32 $0x108;
	_ =	swait.ge @!p0 [sflag:s8], $0x0  }
0x24: {  	s3 =	sadd.s32 $0x88, s3;
	s6 =	simm.s32 @!p1 $0x1082;
	[sflag:s4] =	ssyncset.s32 $0xFFFFF086  }
0x25: {  	[simem:s6], [sflag:s4] =	dma.local [hbm:s3], $0xF7A  }
0x26: {  	[smem:$0x3F99] =	sst s1;
	(tag) =	ssettag s2;
	_ =	strace s9  }
0x27: {  	s1 =	sld [smem:$0x3FA9]  }
0x28: {  	s2 =	sld [smem:$0x3FAA]  }
0x29: {  	s4 =	sld [smem:$0x3FAC]  }
0x2a: {  	p0 =	seq.s32 s5, $0x0;
	s5 =	sld [smem:$0x3FAD]  }
0x2b: {  	s6 =	sld [smem:$0x3FAE]  }
0x2c: {  	s7 =	sld [smem:$0x3FAF]  }
0x2d: {  	s3 =	simm.s32 $0x108;
	s8 =	sld [smem:$0x3FB0]  }
0x2e: {  	s3 =	simm.s32 @!p0 $0x1082;
	s9 =	sld [smem:$0x3FB1]  }
0x2f: {  	lr =	sadd.s32 s0, s3;
	s0 =	sld [smem:$0x3FA8]  }
0x30: {  	s3 =	sld [smem:$0x3FAB]  }
0x31: {  	[smem:$0x3FB4] =	sst s10  }
0x32: {  	s10 =	sld [smem:$0x3FB2];
	_ =	sdelay $0x3  }
0x33: {  	p0 =	seq.s32 s10, $0x1;
	s10 =	sld [smem:$0x3FB4];
	_ =	sdelay $0x3  }
0x34: {  	[smem:$0x3FB4] =	sst s10  }
0x35: {  	s10 =	sld [smem:$0x3FB3];
	_ =	sdelay $0x3  }
0x36: {  	p1 =	seq.s32 s10, $0x1;
	s10 =	sld [smem:$0x3FB4];
	_ =	sdelay $0x3  }
0x37: {  	[smem:$0x3FB4] =	sst s10  }
0x38: {  	s10 =	sld [smem:$0x3FB5]  }
0x39: {  	_ = 	snop;
	(pc) =	sbr.ind lr, $3  }
0x3a: {  	_ = 	snop  }
0x3b: {  	_ = 	snop  }
0x3c: {  	p2 =	seq.s32 s10, $0x1;
	s10 =	sld [smem:$0x3FB4]  }
0x3d: {  	_ =	shalt  }
0x3e: {  	_ =	shalt  }
0x3f: {  	_ =	shalt  }
0x40: {  	_ =	shalt  }
0x41: {  	_ =	shalt  }
0x42: {  	_ =	shalt  }
0x43: {  	_ =	shalt  }
0x44: {  	_ =	shalt  }
0x45: {  	_ =	shalt  }
0x46: {  	_ =	shalt  }
0x47: {  	_ =	shalt  }
0x48: {  	_ =	shalt  }
0x49: {  	_ =	shalt  }
0x4a: {  	_ =	shalt  }
0x4b: {  	_ =	shalt  }
0x4c: {  	_ =	shalt  }
0x4d: {  	_ =	shalt  }
0x4e: {  	_ =	shalt  }
0x4f: {  	_ =	shalt  }
0x50: {  	_ =	shalt  }
0x51: {  	_ =	shalt  }
0x52: {  	_ =	shalt  }
0x53: {  	_ =	shalt  }
0x54: {  	_ =	shalt  }
0x55: {  	_ =	shalt  }
0x56: {  	_ =	shalt  }
0x57: {  	_ =	shalt  }
0x58: {  	_ =	shalt  }
0x59: {  	_ =	shalt  }
0x5a: {  	_ =	shalt  }
0x5b: {  	_ =	shalt  }
0x5c: {  	_ =	shalt  }
0x5d: {  	_ =	shalt  }
0x5e: {  	_ =	shalt  }
0x5f: {  	_ =	shalt  }
0x60: {  	_ =	shalt  }
0x61: {  	_ =	shalt  }
0x62: {  	_ =	shalt  }
0x63: {  	_ =	shalt  }
0x64: {  	_ =	shalt  }
0x65: {  	_ =	shalt  }
0x66: {  	_ =	shalt  }
0x67: {  	_ =	shalt  }
0x68: {  	_ =	shalt  }
0x69: {  	_ =	shalt  }
0x6a: {  	_ =	shalt  }
0x6b: {  	_ =	shalt  }
0x6c: {  	_ =	shalt  }
0x6d: {  	_ =	shalt  }
0x6e: {  	_ =	shalt  }
0x6f: {  	_ =	shalt  }
0x70: {  	_ =	shalt  }
0x71: {  	_ =	shalt  }
0x72: {  	_ =	shalt  }
0x73: {  	_ =	shalt  }
0x74: {  	_ =	shalt  }
0x75: {  	_ =	shalt  }
0x76: {  	_ =	shalt  }
0x77: {  	_ =	shalt  }
0x78: {  	_ =	shalt  }
0x79: {  	_ =	shalt  }
0x7a: {  	_ =	shalt  }
0x7b: {  	_ =	shalt  }
0x7c: {  	_ =	shalt  }
0x7d: {  	_ =	shalt  }
0x7e: {  	_ =	shalt  }
0x7f: {  	_ =	shalt  }
0x80: {  	_ =	shalt  }
0x81: {  	_ =	shalt  }
0x82: {  	_ =	shalt  }
0x83: {  	_ =	shalt  }
0x84: {  	_ =	shalt  }
0x85: {  	_ =	shalt  }
0x86: {  	_ =	shalt  }
0x87: {  	_ =	shalt  }
.Lfunc_end0:
.L_simem_size_0:
called_computation.1_lowered:
.L_overlay_start_0:
0x88: {  	s2 =	sld [smem:$0x3FD9]  }
0x89: {  	s3 =	sld [smem:$0x3FFE];
	_ =	sdelay $0x1  }
0x8a: {  	s1 =	srdreg.scid  }
0x8b: {  	s0 =	sand.u32 $0x1, s1  }
0x8c: {  	s17 =	sshll.u32 s0, $0xA;
	s2 =	sadd.s32 s3, s2  }
0x8d: {  	s2 =	sadd.s32 s2, s17  }
0x8e: {  	[smem:$0x3FC0] =	sst s2  }
0x8f: {  	_ = 	snop  }
0x90: {  	s18 =	sld [smem:$0x3FC9];
	(tm) =	ssettm $0x1  }
0x91: {  	s19 =	sld [smem:$0x3FFB];
	_ =	sdelay $0x3  }
0x92: {  	_ =	strace s19  }
0x93: {  	s2 =	sld [smem:$0x3FFC];
	_ =	sdelay $0x3  }
0x94: {  	_ =	strace s2  }
0x95: {  	s2 =	sld [smem:$0x3FFD];
	_ =	sdelay $0x3  }
0x96: {  	_ =	strace s2  }
0x97: {  	_ =	strace $0x8FFFFFFF  }
0x98: {  	s20 =	sld [smem:$0x3FDB];
	_ =	sdelay $0x1  }
0x99: {  	s4 =	simm.s32 $_scs_section_size  }
0x9a: {  	s5 =	simm.s32 $_size__tile_overlayer_lowered;
	s6 =	simm.s32 $_tile_overlayer_lowered  }
0x9b: {  	s7 =	simm.s32 $0x1BFF;
	s21 =	sshll.u32 s6, $0x1;
	s4 =	sadd.s32 s4, s20  }
0x9c: {  	s22 =	simm.s32 $0x0;
	s5 =	sshll.u32 s5, $0x1;
	s6 =	sadd.s32 s21, s4  }
0x9d: {  	[timem:s22], [sflag:s7] =	dma.local [hbm:s6], s5  }
0x9e: {  	_ =	swait.ge [sflag:s7], s5  }
0x9f: {  	s5 =	ssub.s32 $0x0, s5;
	[sflag:s7] =	ssyncset.done $0x0  }
0xa0: {  	[sflag:s7] =	ssyncadd.s32 s5;
	_ =	sdelay $0x1  }
0xa1: {  	s23 =	simm.s32 $0x1B8B  }
0xa2: {  	_ =	swait.ge [sflag:s23], $0x1  }
0xa3: {  	[sflag:s23] =	ssyncset.done $0x0  }
0xa4: {  	[sflag:s23] =	ssyncadd.s32 $0xFFFFFFFF  }
0xa5: {  	s5 =	sld [smem:$0x0]  }
0xa6: {  	s6 =	sand.u32 $0xFFFFFFFE, s1  }
0xa7: {  	p0 =	sne.s32 s1, s6  }
0xa8: {  	s6 =	sshll.u32 @p0 s6, $0xE  }
0xa9: {  	s6 =	sadd.s32 @p0 $0x11B8D, s6;
	s7 =	sshll.u32 @p0 s5, $0x11  }
0xaa: {  	s6 =	sor.u32 @p0 s7, s6  }
0xab: {  	[sflag:s6] =	ssyncadd.remote.s32 @p0 $0x1;
	_ =	sdelay $0x1  }
0xac: {  	s6 =	simm.s32 @p0 $0x1B8D  }
0xad: {  	_ =	swait.eq @p0 [sflag:s6], $0x1  }
0xae: {  	[sflag:s6] =	ssyncadd.s32 @p0 $0xFFFFFFFF  }
0xaf: {  	s7 =	sshll.u32 @!p0 s1, $0xE  }
0xb0: {  	s7 =	sor.u32 @!p0 $0x4000, s7;
	s6 =	simm.s32 @!p0 $0x1B8D  }
0xb1: {  	s5 =	sshll.u32 @!p0 s5, $0x11;
	s7 =	sadd.s32 @!p0 $0x11B8D, s7;
	_ =	swait.eq @!p0 [sflag:s6], $0x1  }
0xb2: {  	s5 =	sor.u32 @!p0 s5, s7;
	[sflag:s6] =	ssyncadd.s32 @!p0 $0xFFFFFFFF  }
0xb3: {  	s25 =	simm.s32 $0x1B8E;
	s24 =	sld [smem:$0x3FFE];
	[sflag:s5] =	ssyncadd.remote.s32 @!p0 $0x1  }
0xb4: {  	s26 =	simm.s32 $execute0_lowered;
	[smem:$0x3FD2] =	sst s25  }
0xb5: {  	s6 =	sshll.u32 s26, $0x1;
	_ =	strace $0x80000049;
	[dreg:$0x1] =	wrdreg $0xFFFFFFFF  }
0xb6: {  	s28 =	simm.s32 $_size_execute0_lowered;
	s4 =	sadd.s32 s4, s6;
	[dreg:$0x0] =	wrdreg $0x0  }
0xb7: {  	s6 =	sshll.u32 s28, $0x1;
	[dreg:$0x2] =	wrdreg s4  }
0xb8: {  	[dreg:$0x3] =	wrdreg s6  }
0xb9: {  	[dreg:$0x4] =	wrdreg $0xC0  }
0xba: {  	_ =	task [dreg:s22], $0x5FFFF  }
0xbb: {  	[dreg:$0x1] =	wrdreg $0xFFFFFFFF  }
0xbc: {  	[dreg:$0x0] =	wrdreg $0x60  }
0xbd: {  	[dreg:$0x2] =	wrdreg s18  }
0xbe: {  	[dreg:$0x3] =	wrdreg s24  }
0xbf: {  	[dreg:$0x4] =	wrdreg $0xA8000  }
0xc0: {  	[dreg:$0x5] =	wrdreg $0xA  }
0xc1: {  	_ =	task.clear_ibuf [dreg:s22], $0x6FFFF;
	_ =	strace $0x90000049  }
0xc2: {  	s29 =	simm.s32 $0xA;
	_ =	strace $0x8000004B  }
0xc3: {  	_ =	swait.ge [sflag:s29], $0x1  }
0xc4: {  	[sflag:s29] =	ssyncadd.s32 $0xFFFFFFFF  }
0xc5: {  	_ =	strace $0x9000004B  }
0xc6: {  	_ =	sfence  }
0xc7: {  	s30 =	sld [smem:$0x0];
	_ =	sdelay $0x2  }
0xc8: {  	s31 =	sshll.u32 s1, $0xD;
	s1 =	sshrl.u32 s1, $0x2  }
0xc9: {  	s4 =	sand.u32 $0x4000, s31;
	s1 =	sadd.s32 s1, s30  }
0xca: {  	s0 =	sor.u32 s4, s0;
	s1 =	sshll.u32 s1, $0x11  }
0xcb: {  	s0 =	sor.u32 s1, s0  }
0xcc: {  	s0 =	sadd.s32 $0x8F2B, s0  }
0xcd: {  	[sflag:s0] =	ssyncadd.remote.s32 $0x1  }
0xce: {  	_ =	sfence.sel $0xFFFF  }
0xcf: {  	[dreg:$0x0] =	wrdreg $0xFFFFFFFF;
	(pc) =	sbr.abs _section_cstart, $3  }
0xd0: {  	[dreg:$0x1] =	wrdreg $0xFFFFFFFF  }
0xd1: {  	_ =	task.clear_ibuf [dreg:s22], $0x2FFFF;
	_ =	strace $0x9FFFFFFF  }
0xd2: {  	(tm) =	ssettm $0x7FFFFFFF  }
0xd3: {  	_ =	shalt  }
tec
execute0_lowered:
.L_overlay_start_1:
0x0: {  	(tag) =	ssettag $0x1  }
0x1: {  	s1 =	rddreg [dreg:$0x0]  }
0x2: {  	s5 =	rddreg [dreg:$0x1]  }
0x3: {  	s3 =	rddreg [dreg:$0x2]  }
0x4: {  	s0 =	rddreg [dreg:$0x3];
	s6 =	srdreg.scid  }
0x5: {  	s4 =	simm.s32 $0x0;
	s2 =	stileid.u32;
	s14 =	simm.s32 $0x50  }
0x6: {  	s15 =	simm.s32 $0x8000;
	s16 =	simm.s32 $0x1;
	s17 =	simm.s32 $0x0  }
0x7: {  	s6 =	sand.u32 $0x1, s6;
	s8 =	sshll.u32 s2, $0xB;
	s9 =	smul.u32 $0x14000, s2  }
0x8: {  	[smem:$0x7FF] =	sst s4;
	s29 =	smul.u32 $0x50000, s2;
	s31 =	sshll.u32 s2, $0x6  }
0x9: {  	s7 =	sshll.u32 s6, $0xF;
	s26 =	smul.u32 $0x140000, s6;
	_ =	strace $0x8000004A  }
0xa: {  	s6 =	ssub.s32 $0x2, s6;
	s7 =	sor.u32 s8, s7;
	s28 =	sshrl.u32 s9, $0x3  }
0xb: {  	s11 =	sshrl.u32 s6, $0x1;
	s30 =	sshrl.u32 s29, $0x2;
	s10 =	sadd.s32 s7, s5  }
0xc: {  	s8 =	sadd.s32 s9, s26;
	s7 =	sadd.s32 s28, s5;
	s11 =	ssub.s32 s6, s11  }
0xd: {  	s13 =	sadd.s32 s30, s3;
	s6 =	sor.u32 $0x1C02, s31;
	s8 =	sshrl.u32 s8, $0x3  }
0xe: {  	s12 =	sadd.s32 s8, s5;
	s5 =	sadd.s32 $0x12000, s7;
	s7 =	sadd.s32 $0x3A000, s10  }
0xf: {  	s8 =	sadd.s32 $0x1E00, s10;
	s10 =	smax.u32 s11, $0x1;
	s11 =	sshrl.u32 s13, $0x3  }
0x10: {  	s13 =	simm.s32 $0x4000;
	s9 =	sadd.s32 $0x4A000, s12;
	s12 =	simm.s32 $0x2  }
.LBB2_1:
0x11: {  	[spmem:s11], [sflag:s6] =	dma.local [hbm:s5], $0x2800  }
0x12: {  	_ =	swait.ge [sflag:s12], $0x2800  }
0x13: {  	[sflag:s12] =	ssyncset.done $0x0  }
0x14: {  	[sflag:s12] =	ssyncadd.s32 $0xFFFFD800  }
0x15: {  	[tilespmem:s4], [sflag:$0x2] =	stream.linear.gather [hbm4b:s7+s4], $0x3E80, $0x38;
	[tilespmem:$0x1E800] =	vst v63  }
0x16: {  	_ =	swait.ge [sflag:s12], $0x3E80  }
0x17: {  	[sflag:s12] =	ssyncset.done $0x0  }
0x18: {  	[sflag:s12] =	ssyncadd.s32 $0xFFFFC180  }
0x19: {  	[tilespmem:s13], [sflag:$0x2] =	stream.linear.gather [hbm4b:s8+s4], $0x3E80, $0x38;
	[tilespmem:$0x1E800] =	vst v63  }
0x1a: {  	_ =	swait.ge [sflag:s12], $0x3E80  }
0x1b: {  	[sflag:s12] =	ssyncset.done $0x0  }
0x1c: {  	[sflag:s12] =	ssyncadd.s32 $0xFFFFC180  }
0x1d: {  	s18 =	simm.s32 $0x0;
	[bflag:$0x0] =	sbarrier.arrive $0xFFFF  }
0x1e: {  	[tilespmem:s15], [sflag:$0x1] =	stream.indirect.gather [hbm4b:s1+s14], $0x80, s18, s14, $0xb8;
	[tilespmem:$0x1E800] =	vst v63  }
0x1f: {  	_ =	swait.ge [sflag:s16], $0x2800  }
0x20: {  	[sflag:s16] =	ssyncset.done $0x0  }
0x21: {  	s31 =	simm.s32 $0x4000;
	[sflag:s16] =	ssyncadd.s32 $0xFFFFD800  }
0x22: {  	[spmem:s3] =	stream.indirect.scatter.add.f32 [tilespmem:s15], [sflag:$0x2], $0x80, s31, s14, $0xb8;
	[tilespmem:$0x1E800] =	vst v63  }
0x23: {  	_ =	swait.ge [sflag:s12], $0x2800  }
0x24: {  	s19 =	simm.s32 $0x400;
	s18 =	simm.s32 $0x200;
	[sflag:s12] =	ssyncset.done $0x0  }
.LBB2_2:
0x25: {  	s20 =	sshra.s32 s18, $0x2  }
0x26: {  	[sflag:s12] =	ssyncadd.s32 $0xFFFFD800;
	s18 =	smov.u32 s19;
	s21 =	sadd.s32 $0x200, s19  }
0x27: {  	[tilespmem:s15], [sflag:$0x1] =	stream.indirect.gather [hbm4b:s1+s14], $0x80, s20, s14, $0xb8;
	[tilespmem:$0x1E800] =	vst v63  }
0x28: {  	p0 =	sne.s32 s19, $0xF800;
	_ =	swait.ge [sflag:s16], $0x2800  }
.Ltmp0:
0x29: {  	[sflag:s16] =	ssyncset.done $0x0;
	(pc) =	sbr.rel @p0 .LBB2_2-.Ltmp0, $4  }
0x2a: {  	s19 =	sadd.s32 $0x4000, s20;
	[sflag:s16] =	ssyncadd.s32 $0xFFFFD800  }
0x2b: {  	[spmem:s3] =	stream.indirect.scatter.add.f32 [tilespmem:s15], [sflag:$0x2], $0x80, s19, s14, $0xb8;
	[tilespmem:$0x1E800] =	vst v63  }
0x2c: {  	_ =	swait.ge [sflag:s12], $0x2800  }
0x2d: {  	s19 =	smov.u32 s21;
	[sflag:s12] =	ssyncset.done $0x0  }
0x2e: {  	s18 =	sshra.s32 s18, $0x2;
	[sflag:s12] =	ssyncadd.s32 $0xFFFFD800  }
0x2f: {  	[tilespmem:s15], [sflag:$0x1] =	stream.indirect.gather [hbm4b:s1+s14], $0x80, s18, s14, $0xb8;
	[tilespmem:$0x1E800] =	vst v63  }
0x30: {  	_ =	swait.ge [sflag:s16], $0x2800  }
0x31: {  	[sflag:s16] =	ssyncset.done $0x0  }
0x32: {  	s18 =	sadd.s32 $0x4000, s18;
	[sflag:s16] =	ssyncadd.s32 $0xFFFFD800  }
0x33: {  	[spmem:s3] =	stream.indirect.scatter.add.f32 [tilespmem:s15], [sflag:$0x2], $0x80, s18, s14, $0xb8;
	[tilespmem:$0x1E800] =	vst v63  }
0x34: {  	_ =	swait.ge [sflag:s12], $0x2800  }
0x35: {  	s17 =	sadd.s32 $0x1, s17;
	[sflag:s12] =	ssyncset.done $0x0  }
0x36: {  	p0 =	sne.s32 s17, s10;
	[sflag:s12] =	ssyncadd.s32 $0xFFFFD800  }
.Ltmp1:
0x37: {  	[bflag:$0x0] =	sbarrier.arrive $0xFFFF;
	(pc) =	sbr.rel @p0 .LBB2_1-.Ltmp1, $4  }
0x38: {  	[hbm:s9], [sflag:s6] =	dma.local [spmem:s11], $0x2800  }
0x39: {  	_ =	swait.ge [sflag:s12], $0x2800  }
0x3a: {  	[sflag:s12] =	ssyncset.done $0x0  }
0x3b: {  	[sflag:s12] =	ssyncadd.s32 $0xFFFFD800  }
0x3c: {  	_ =	sfence.sel $0x180000  }
0x3d: {  	[bflag:$0x0] =	sbarrier.arrive $0xFFFF  }
0x3e: {  	p0 =	sne.s32 s2, $0x0;
	_ =	strace $0x9000004A  }
0x3f: {  	s0 =	sadd.s32 @!p0 $0x100000, s0;
	[bflag:$0x2] =	sbarrier.arrive $0xFFFF  }
0x40: {  	[sflag:s0] =	ssyncadd.tile.s32 @!p0 $0x1;
	_ =	shalt  }
.Lfunc_end2:
_tile_overlayer_lowered:
.L_overlay_start_2:
0x41: {  	(tag) =	ssettag $0x2  }
0x42: {  	s0 =	rddreg [dreg:$0x0];
	s2 =	stileid.u32  }
0x43: {  	s1 =	rddreg [dreg:$0x1];
	p0 =	sne.s32 s2, $0x0  }
0x44: {  	s3 =	rddreg [dreg:$0x2];
	[bflag:$0x3] =	sbarrier.arrive $0xFFFF;
	s2 =	simm.s32 @!p0 $0x1C02  }
0x45: {  	[timem:s3], [sflag:s2] =	dma.local @!p0 [hbm:s0], s1  }
0x46: {  	s0 =	simm.s32 @!p0 $0x2  }
0x47: {  	_ =	swait.ge @!p0 [sflag:s0], s1  }
0x48: {  	s1 =	ssub.s32 @!p0 $0x0, s1;
	[sflag:s0] =	ssyncset.done @!p0 $0x0  }
0x49: {  	[sflag:s0] =	ssyncadd.s32 @!p0 s1  }
0x4a: {  	[bflag:$0x3] =	sbarrier.arrive $0xFFFF  }
0x4b: {  	_ =	shalt  }

// kernel: kernel.13.cloned.1.call-start
scs
__scs_entry_jumppad:
0x0: {  	(pc) =	sbr.rel $0x88, $3  }
0x1: {  	(tag) =	ssettag $0x0;
	lr =	simm.s32 $0x1  }
0x2: {  	[smem:$0x3F99] =	sst lr;
	_ =	strace $0xD0000000  }
0x3: {  	_ = 	snop  }
0x4: {  	_ = 	snop  }
0x5: {  	_ = 	snop  }
0x6: {  	_ = 	snop  }
0x7: {  	_ = 	snop  }
__scs_overlays_trampoline_lowered:
0x8: {  	[smem:$0x3FA8] =	sst s0  }
0x9: {  	[smem:$0x3FA9] =	sst s1  }
0xa: {  	[smem:$0x3FAA] =	sst s2  }
0xb: {  	[smem:$0x3FAB] =	sst s3  }
0xc: {  	[smem:$0x3FAC] =	sst s4  }
0xd: {  	[smem:$0x3FAD] =	sst s5  }
0xe: {  	[smem:$0x3FAE] =	sst s6  }
0xf: {  	[smem:$0x3FAF] =	sst s7  }
0x10: {  	[smem:$0x3FB0] =	sst s8  }
0x11: {  	[smem:$0x3FB1] =	sst s9;
	s0 =	simm.s32 @!p0 $0x0  }
0x12: {  	s1 =	sld [smem:$0x3F97];
	s0 =	simm.s32 @p0 $0x1  }
0x13: {  	[smem:$0x3FB2] =	sst s0;
	s0 =	simm.s32 @!p1 $0x0  }
0x14: {  	s2 =	sld [smem:$0x3F96];
	s0 =	simm.s32 @p1 $0x1  }
0x15: {  	[smem:$0x3FB3] =	sst s0;
	s0 =	simm.s32 @!p2 $0x0  }
0x16: {  	s3 =	sld [smem:$0x3FDB];
	s0 =	simm.s32 @p2 $0x1  }
0x17: {  	s4 =	simm.s32 $0x1BF5;
	[smem:$0x3FB5] =	sst s0  }
0x18: {  	s0 =	sld [smem:$0x3F98];
	_ =	swait.ge [sflag:s4], $0x0  }
0x19: {  	s7 =	sld [smem:$0x3F99]  }
0x1a: {  	s8 =	sadd.s32 $0xFFFFE003, lr  }
0x1b: {  	s9 =	sadd.s32 $0xFFFFFEF7, lr;
	s5 =	simm.s32 $0xFFFFFFFF;
	p2 =	slt.u32 s8, $0xFFFFF086  }
0x1c: {  	p1 =	slt.u32 s9, $0xF7A;
	s5 =	simm.s32 @!p2 $0x0  }
0x1d: {  	s5 =	simm.s32 @p1 $0x1;
	p0 =	seq.s32 s7, s2  }
0x1e: {  	s7 =	smul.u32 @!p0 $0xF7A, s2;
	p2 =	seq.s32 @!p0 s5, $0x0  }
0x1f: {  	s9 =	smul.u32 $0xF7A, s1;
	s8 =	simm.s32 @!p0 $0x1BF5;
	p2 =	por !p2, p0  }
0x20: {  	[sflag:s8] =	ssyncset.s32 @!p0 $0xFFFFF086;
	s6 =	sadd.s32 @!p0 s3, s7;
	s7 =	simm.s32 @!p0 $0x108  }
0x21: {  	s3 =	sadd.s32 s3, s9;
	s6 =	sadd.s32 @!p0 $0x88, s6;
	s7 =	simm.s32 @p2 $0x1082  }
0x22: {  	[simem:s7], [sflag:s8] =	dma.local @!p0 [hbm:s6], $0xF7A  }
0x23: {  	s9 =	sor.u32 $0xD0000000, s2;
	s6 =	simm.s32 $0x108;
	_ =	swait.ge @!p0 [sflag:s8], $0x0  }
0x24: {  	s3 =	sadd.s32 $0x88, s3;
	s6 =	simm.s32 @!p1 $0x1082;
	[sflag:s4] =	ssyncset.s32 $0xFFFFF086  }
0x25: {  	[simem:s6], [sflag:s4] =	dma.local [hbm:s3], $0xF7A  }
0x26: {  	[smem:$0x3F99] =	sst s1;
	(tag) =	ssettag s2;
	_ =	strace s9  }
0x27: {  	s1 =	sld [smem:$0x3FA9]  }
0x28: {  	s2 =	sld [smem:$0x3FAA]  }
0x29: {  	s4 =	sld [smem:$0x3FAC]  }
0x2a: {  	p0 =	seq.s32 s5, $0x0;
	s5 =	sld [smem:$0x3FAD]  }
0x2b: {  	s6 =	sld [smem:$0x3FAE]  }
0x2c: {  	s7 =	sld [smem:$0x3FAF]  }
0x2d: {  	s3 =	simm.s32 $0x108;
	s8 =	sld [smem:$0x3FB0]  }
0x2e: {  	s3 =	simm.s32 @!p0 $0x1082;
	s9 =	sld [smem:$0x3FB1]  }
0x2f: {  	lr =	sadd.s32 s0, s3;
	s0 =	sld [smem:$0x3FA8]  }
0x30: {  	s3 =	sld [smem:$0x3FAB]  }
0x31: {  	[smem:$0x3FB4] =	sst s10  }
0x32: {  	s10 =	sld [smem:$0x3FB2];
	_ =	sdelay $0x3  }
0x33: {  	p0 =	seq.s32 s10, $0x1;
	s10 =	sld [smem:$0x3FB4];
	_ =	sdelay $0x3  }
0x34: {  	[smem:$0x3FB4] =	sst s10  }
0x35: {  	s10 =	sld [smem:$0x3FB3];
	_ =	sdelay $0x3  }
0x36: {  	p1 =	seq.s32 s10, $0x1;
	s10 =	sld [smem:$0x3FB4];
	_ =	sdelay $0x3  }
0x37: {  	[smem:$0x3FB4] =	sst s10  }
0x38: {  	s10 =	sld [smem:$0x3FB5]  }
0x39: {  	_ = 	snop;
	(pc) =	sbr.ind lr, $3  }
0x3a: {  	_ = 	snop  }
0x3b: {  	_ = 	snop  }
0x3c: {  	p2 =	seq.s32 s10, $0x1;
	s10 =	sld [smem:$0x3FB4]  }
0x3d: {  	_ =	shalt  }
0x3e: {  	_ =	shalt  }
0x3f: {  	_ =	shalt  }
0x40: {  	_ =	shalt  }
0x41: {  	_ =	shalt  }
0x42: {  	_ =	shalt  }
0x43: {  	_ =	shalt  }
0x44: {  	_ =	shalt  }
0x45: {  	_ =	shalt  }
0x46: {  	_ =	shalt  }
0x47: {  	_ =	shalt  }
0x48: {  	_ =	shalt  }
0x49: {  	_ =	shalt  }
0x4a: {  	_ =	shalt  }
0x4b: {  	_ =	shalt  }
0x4c: {  	_ =	shalt  }
0x4d: {  	_ =	shalt  }
0x4e: {  	_ =	shalt  }
0x4f: {  	_ =	shalt  }
0x50: {  	_ =	shalt  }
0x51: {  	_ =	shalt  }
0x52: {  	_ =	shalt  }
0x53: {  	_ =	shalt  }
0x54: {  	_ =	shalt  }
0x55: {  	_ =	shalt  }
0x56: {  	_ =	shalt  }
0x57: {  	_ =	shalt  }
0x58: {  	_ =	shalt  }
0x59: {  	_ =	shalt  }
0x5a: {  	_ =	shalt  }
0x5b: {  	_ =	shalt  }
0x5c: {  	_ =	shalt  }
0x5d: {  	_ =	shalt  }
0x5e: {  	_ =	shalt  }
0x5f: {  	_ =	shalt  }
0x60: {  	_ =	shalt  }
0x61: {  	_ =	shalt  }
0x62: {  	_ =	shalt  }
0x63: {  	_ =	shalt  }
0x64: {  	_ =	shalt  }
0x65: {  	_ =	shalt  }
0x66: {  	_ =	shalt  }
0x67: {  	_ =	shalt  }
0x68: {  	_ =	shalt  }
0x69: {  	_ =	shalt  }
0x6a: {  	_ =	shalt  }
0x6b: {  	_ =	shalt  }
0x6c: {  	_ =	shalt  }
0x6d: {  	_ =	shalt  }
0x6e: {  	_ =	shalt  }
0x6f: {  	_ =	shalt  }
0x70: {  	_ =	shalt  }
0x71: {  	_ =	shalt  }
0x72: {  	_ =	shalt  }
0x73: {  	_ =	shalt  }
0x74: {  	_ =	shalt  }
0x75: {  	_ =	shalt  }
0x76: {  	_ =	shalt  }
0x77: {  	_ =	shalt  }
0x78: {  	_ =	shalt  }
0x79: {  	_ =	shalt  }
0x7a: {  	_ =	shalt  }
0x7b: {  	_ =	shalt  }
0x7c: {  	_ =	shalt  }
0x7d: {  	_ =	shalt  }
0x7e: {  	_ =	shalt  }
0x7f: {  	_ =	shalt  }
0x80: {  	_ =	shalt  }
0x81: {  	_ =	shalt  }
0x82: {  	_ =	shalt  }
0x83: {  	_ =	shalt  }
0x84: {  	_ =	shalt  }
0x85: {  	_ =	shalt  }
0x86: {  	_ =	shalt  }
0x87: {  	_ =	shalt  }
.Lfunc_end0:
.L_simem_size_0:
called_computation.2_lowered:
.L_overlay_start_0:
0x88: {  	s2 =	sld [smem:$0x3FD9]  }
0x89: {  	s3 =	sld [smem:$0x3FFE];
	_ =	sdelay $0x1  }
0x8a: {  	s1 =	srdreg.scid  }
0x8b: {  	s0 =	sand.u32 $0x1, s1  }
0x8c: {  	s17 =	sshll.u32 s0, $0xA;
	s2 =	sadd.s32 s3, s2  }
0x8d: {  	s2 =	sadd.s32 s2, s17  }
0x8e: {  	[smem:$0x3FC0] =	sst s2  }
0x8f: {  	_ = 	snop  }
0x90: {  	s2 =	sld [smem:$0x3FD0];
	(tm) =	ssettm $0x1  }
0x91: {  	s18 =	sld [smem:$0x3FFB];
	_ =	sdelay $0x3  }
0x92: {  	_ =	strace s18  }
0x93: {  	s3 =	sld [smem:$0x3FFC];
	_ =	sdelay $0x3  }
0x94: {  	_ =	strace s3  }
0x95: {  	s3 =	sld [smem:$0x3FFD];
	_ =	sdelay $0x3  }
0x96: {  	_ =	strace s3  }
0x97: {  	_ =	strace $0x8FFFFFFF  }
0x98: {  	s19 =	sld [smem:$0x3FDB];
	_ =	sdelay $0x1  }
0x99: {  	s4 =	simm.s32 $_scs_section_size  }
0x9a: {  	s5 =	simm.s32 $_size__tile_overlayer_lowered;
	s6 =	simm.s32 $_tile_overlayer_lowered  }
0x9b: {  	s22 =	simm.s32 $0x1BFF;
	s21 =	sshll.u32 s6, $0x1;
	s3 =	sadd.s32 s4, s19  }
0x9c: {  	s7 =	simm.s32 $0x0;
	s20 =	sshll.u32 s5, $0x1;
	s5 =	sadd.s32 s21, s3  }
0x9d: {  	[timem:s7], [sflag:s22] =	dma.local [hbm:s5], s20  }
0x9e: {  	_ =	swait.ge [sflag:s22], s20  }
0x9f: {  	s4 =	ssub.s32 $0x0, s20;
	[sflag:s22] =	ssyncset.done $0x0  }
0xa0: {  	[sflag:s22] =	ssyncadd.s32 s4;
	_ =	sdelay $0x1  }
0xa1: {  	s23 =	simm.s32 $0x1B8B  }
0xa2: {  	_ =	swait.ge [sflag:s23], $0x1  }
0xa3: {  	[sflag:s23] =	ssyncset.done $0x0  }
0xa4: {  	s25 =	simm.s32 $0x1B8E;
	s24 =	sld [smem:$0x3FFE];
	[sflag:s23] =	ssyncadd.s32 $0xFFFFFFFF  }
0xa5: {  	s26 =	simm.s32 $execute0_lowered;
	[smem:$0x3FD2] =	sst s25  }
0xa6: {  	s5 =	sshll.u32 s26, $0x1;
	_ =	strace $0x8000004C;
	[dreg:$0x1] =	wrdreg $0xFFFFFFFF  }
0xa7: {  	s28 =	simm.s32 $_size_execute0_lowered;
	s3 =	sadd.s32 s3, s5;
	[dreg:$0x0] =	wrdreg $0x0  }
0xa8: {  	s5 =	sshll.u32 s28, $0x1;
	[dreg:$0x2] =	wrdreg s3  }
0xa9: {  	[dreg:$0x3] =	wrdreg s5  }
0xaa: {  	[dreg:$0x4] =	wrdreg $0xC0  }
0xab: {  	_ =	task [dreg:s7], $0x5FFFF  }
0xac: {  	[dreg:$0x1] =	wrdreg $0xFFFFFFFF  }
0xad: {  	[dreg:$0x0] =	wrdreg $0x60  }
0xae: {  	[dreg:$0x2] =	wrdreg s2  }
0xaf: {  	[dreg:$0x3] =	wrdreg s24  }
0xb0: {  	[dreg:$0x4] =	wrdreg $0xA8000  }
0xb1: {  	[dreg:$0x5] =	wrdreg $0x9  }
0xb2: {  	_ =	task.clear_ibuf [dreg:s7], $0x6FFFF;
	_ =	strace $0x9000004C  }
0xb3: {  	s29 =	simm.s32 $0x9;
	_ =	strace $0x8000004E  }
0xb4: {  	_ =	swait.ge [sflag:s29], $0x1  }
0xb5: {  	[sflag:s29] =	ssyncadd.s32 $0xFFFFFFFF  }
0xb6: {  	_ =	strace $0x9000004E  }
0xb7: {  	_ =	sfence  }
0xb8: {  	s30 =	sld [smem:$0x0];
	_ =	sdelay $0x2  }
0xb9: {  	s31 =	sshll.u32 s1, $0xD;
	s1 =	sshrl.u32 s1, $0x2  }
0xba: {  	s3 =	sand.u32 $0x4000, s31;
	s1 =	sadd.s32 s1, s30  }
0xbb: {  	s0 =	sor.u32 s3, s0;
	s1 =	sshll.u32 s1, $0x11  }
0xbc: {  	s0 =	sor.u32 s1, s0  }
0xbd: {  	s0 =	sadd.s32 $0x8F2B, s0  }
0xbe: {  	[sflag:s0] =	ssyncadd.remote.s32 $0x1  }
0xbf: {  	_ =	sfence.sel $0xFFFF  }
0xc0: {  	[dreg:$0x0] =	wrdreg $0xFFFFFFFF;
	(pc) =	sbr.abs _section_cstart, $3  }
0xc1: {  	[dreg:$0x1] =	wrdreg $0xFFFFFFFF  }
0xc2: {  	_ =	task.clear_ibuf [dreg:s7], $0x2FFFF;
	_ =	strace $0x9FFFFFFF  }
0xc3: {  	(tm) =	ssettm $0x7FFFFFFF  }
tec
execute0_lowered:
.L_overlay_start_1:
0x0: {  	(tag) =	ssettag $0x1  }
0x1: {  	s1 =	rddreg [dreg:$0x0]  }
0x2: {  	s5 =	rddreg [dreg:$0x1]  }
0x3: {  	s3 =	rddreg [dreg:$0x2]  }
0x4: {  	s0 =	rddreg [dreg:$0x3];
	s6 =	srdreg.scid  }
0x5: {  	s4 =	simm.s32 $0x0;
	s2 =	stileid.u32;
	s14 =	simm.s32 $0x50  }
0x6: {  	s15 =	simm.s32 $0x8000;
	s16 =	simm.s32 $0x1;
	s17 =	simm.s32 $0x0  }
0x7: {  	s6 =	sand.u32 $0x1, s6;
	s8 =	sshll.u32 s2, $0xB;
	s9 =	smul.u32 $0x14000, s2  }
0x8: {  	[smem:$0x7FF] =	sst s4;
	s29 =	smul.u32 $0x50000, s2;
	s31 =	sshll.u32 s2, $0x6  }
0x9: {  	s7 =	sshll.u32 s6, $0xF;
	s26 =	smul.u32 $0x140000, s6;
	_ =	strace $0x8000004D  }
0xa: {  	s6 =	ssub.s32 $0x2, s6;
	s7 =	sor.u32 s8, s7;
	s28 =	sshrl.u32 s9, $0x3  }
0xb: {  	s11 =	sshrl.u32 s6, $0x1;
	s30 =	sshrl.u32 s29, $0x2;
	s10 =	sadd.s32 s7, s5  }
0xc: {  	s8 =	sadd.s32 s9, s26;
	s7 =	sadd.s32 s28, s5;
	s11 =	ssub.s32 s6, s11  }
0xd: {  	s13 =	sadd.s32 s30, s3;
	s6 =	sor.u32 $0x1C02, s31;
	s8 =	sshrl.u32 s8, $0x3  }
0xe: {  	s12 =	sadd.s32 s8, s5;
	s5 =	sadd.s32 $0x12000, s7;
	s7 =	sadd.s32 $0x3A000, s10  }
0xf: {  	s8 =	sadd.s32 $0x1E00, s10;
	s10 =	smax.u32 s11, $0x1;
	s11 =	sshrl.u32 s13, $0x3  }
0x10: {  	s13 =	simm.s32 $0x4000;
	s9 =	sadd.s32 $0x4A000, s12;
	s12 =	simm.s32 $0x2  }
.LBB2_1:
0x11: {  	[spmem:s11], [sflag:s6] =	dma.local [hbm:s5], $0x2800  }
0x12: {  	_ =	swait.ge [sflag:s12], $0x2800  }
0x13: {  	[sflag:s12] =	ssyncset.done $0x0  }
0x14: {  	[sflag:s12] =	ssyncadd.s32 $0xFFFFD800  }
0x15: {  	[tilespmem:s4], [sflag:$0x2] =	stream.linear.gather [hbm4b:s7+s4], $0x3E80, $0x38;
	[tilespmem:$0x1E800] =	vst v63  }
0x16: {  	_ =	swait.ge [sflag:s12], $0x3E80  }
0x17: {  	[sflag:s12] =	ssyncset.done $0x0  }
0x18: {  	[sflag:s12] =	ssyncadd.s32 $0xFFFFC180  }
0x19: {  	[tilespmem:s13], [sflag:$0x2] =	stream.linear.gather [hbm4b:s8+s4], $0x3E80, $0x38;
	[tilespmem:$0x1E800] =	vst v63  }
0x1a: {  	_ =	swait.ge [sflag:s12], $0x3E80  }
0x1b: {  	[sflag:s12] =	ssyncset.done $0x0  }
0x1c: {  	[sflag:s12] =	ssyncadd.s32 $0xFFFFC180  }
0x1d: {  	s18 =	simm.s32 $0x0;
	[bflag:$0x0] =	sbarrier.arrive $0xFFFF  }
0x1e: {  	[tilespmem:s15], [sflag:$0x1] =	stream.indirect.gather [hbm4b:s1+s14], $0x80, s18, s14, $0xb8;
	[tilespmem:$0x1E800] =	vst v63  }
0x1f: {  	_ =	swait.ge [sflag:s16], $0x2800  }
0x20: {  	[sflag:s16] =	ssyncset.done $0x0  }
0x21: {  	s31 =	simm.s32 $0x4000;
	[sflag:s16] =	ssyncadd.s32 $0xFFFFD800  }
0x22: {  	[spmem:s3] =	stream.indirect.scatter.add.f32 [tilespmem:s15], [sflag:$0x2], $0x80, s31, s14, $0xb8;
	[tilespmem:$0x1E800] =	vst v63  }
0x23: {  	_ =	swait.ge [sflag:s12], $0x2800  }
0x24: {  	s19 =	simm.s32 $0x400;
	s18 =	simm.s32 $0x200;
	[sflag:s12] =	ssyncset.done $0x0  }
.LBB2_2:
0x25: {  	s20 =	sshra.s32 s18, $0x2  }
0x26: {  	[sflag:s12] =	ssyncadd.s32 $0xFFFFD800;
	s18 =	smov.u32 s19;
	s21 =	sadd.s32 $0x200, s19  }
0x27: {  	[tilespmem:s15], [sflag:$0x1] =	stream.indirect.gather [hbm4b:s1+s14], $0x80, s20, s14, $0xb8;
	[tilespmem:$0x1E800] =	vst v63  }
0x28: {  	p0 =	sne.s32 s19, $0xF800;
	_ =	swait.ge [sflag:s16], $0x2800  }
.Ltmp0:
0x29: {  	[sflag:s16] =	ssyncset.done $0x0;
	(pc) =	sbr.rel @p0 .LBB2_2-.Ltmp0, $4  }
0x2a: {  	s19 =	sadd.s32 $0x4000, s20;
	[sflag:s16] =	ssyncadd.s32 $0xFFFFD800  }
0x2b: {  	[spmem:s3] =	stream.indirect.scatter.add.f32 [tilespmem:s15], [sflag:$0x2], $0x80, s19, s14, $0xb8;
	[tilespmem:$0x1E800] =	vst v63  }
0x2c: {  	_ =	swait.ge [sflag:s12], $0x2800  }
0x2d: {  	s19 =	smov.u32 s21;
	[sflag:s12] =	ssyncset.done $0x0  }
0x2e: {  	s18 =	sshra.s32 s18, $0x2;
	[sflag:s12] =	ssyncadd.s32 $0xFFFFD800  }
0x2f: {  	[tilespmem:s15], [sflag:$0x1] =	stream.indirect.gather [hbm4b:s1+s14], $0x80, s18, s14, $0xb8;
	[tilespmem:$0x1E800] =	vst v63  }
0x30: {  	_ =	swait.ge [sflag:s16], $0x2800  }
0x31: {  	[sflag:s16] =	ssyncset.done $0x0  }
0x32: {  	s18 =	sadd.s32 $0x4000, s18;
	[sflag:s16] =	ssyncadd.s32 $0xFFFFD800  }
0x33: {  	[spmem:s3] =	stream.indirect.scatter.add.f32 [tilespmem:s15], [sflag:$0x2], $0x80, s18, s14, $0xb8;
	[tilespmem:$0x1E800] =	vst v63  }
0x34: {  	_ =	swait.ge [sflag:s12], $0x2800  }
0x35: {  	s17 =	sadd.s32 $0x1, s17;
	[sflag:s12] =	ssyncset.done $0x0  }
0x36: {  	p0 =	sne.s32 s17, s10;
	[sflag:s12] =	ssyncadd.s32 $0xFFFFD800  }
.Ltmp1:
0x37: {  	[bflag:$0x0] =	sbarrier.arrive $0xFFFF;
	(pc) =	sbr.rel @p0 .LBB2_1-.Ltmp1, $4  }
0x38: {  	[hbm:s9], [sflag:s6] =	dma.local [spmem:s11], $0x2800  }
0x39: {  	_ =	swait.ge [sflag:s12], $0x2800  }
0x3a: {  	[sflag:s12] =	ssyncset.done $0x0  }
0x3b: {  	[sflag:s12] =	ssyncadd.s32 $0xFFFFD800  }
0x3c: {  	_ =	sfence.sel $0x180000  }
0x3d: {  	[bflag:$0x0] =	sbarrier.arrive $0xFFFF  }
0x3e: {  	p0 =	sne.s32 s2, $0x0;
	_ =	strace $0x9000004D  }
0x3f: {  	s0 =	sadd.s32 @!p0 $0x100000, s0;
	[bflag:$0x2] =	sbarrier.arrive $0xFFFF  }
0x40: {  	[sflag:s0] =	ssyncadd.tile.s32 @!p0 $0x1;
	_ =	shalt  }
.Lfunc_end2:
_tile_overlayer_lowered:
.L_overlay_start_2:
0x41: {  	(tag) =	ssettag $0x2  }
0x42: {  	s0 =	rddreg [dreg:$0x0];
	s2 =	stileid.u32  }
0x43: {  	s1 =	rddreg [dreg:$0x1];
	p0 =	sne.s32 s2, $0x0  }
0x44: {  	s3 =	rddreg [dreg:$0x2];
	[bflag:$0x3] =	sbarrier.arrive $0xFFFF;
	s2 =	simm.s32 @!p0 $0x1C02  }
0x45: {  	[timem:s3], [sflag:s2] =	dma.local @!p0 [hbm:s0], s1  }
0x46: {  	s0 =	simm.s32 @!p0 $0x2  }
0x47: {  	_ =	swait.ge @!p0 [sflag:s0], s1  }
0x48: {  	s1 =	ssub.s32 @!p0 $0x0, s1;
	[sflag:s0] =	ssyncset.done @!p0 $0x0  }
0x49: {  	[sflag:s0] =	ssyncadd.s32 @!p0 s1  }
0x4a: {  	[bflag:$0x3] =	sbarrier.arrive $0xFFFF  }
0x4b: {  	_ =	shalt  }

// kernel: kernel.7.cloned.1.call-start
scs
__scs_entry_jumppad:
0x0: {  	(pc) =	sbr.rel $0x88, $3  }
0x1: {  	(tag) =	ssettag $0x0;
	lr =	simm.s32 $0x1  }
0x2: {  	[smem:$0x3F99] =	sst lr;
	_ =	strace $0xD0000000  }
0x3: {  	_ = 	snop  }
0x4: {  	_ = 	snop  }
0x5: {  	_ = 	snop  }
0x6: {  	_ = 	snop  }
0x7: {  	_ = 	snop  }
__scs_overlays_trampoline_lowered:
0x8: {  	[smem:$0x3FA8] =	sst s0  }
0x9: {  	[smem:$0x3FA9] =	sst s1  }
0xa: {  	[smem:$0x3FAA] =	sst s2  }
0xb: {  	[smem:$0x3FAB] =	sst s3  }
0xc: {  	[smem:$0x3FAC] =	sst s4  }
0xd: {  	[smem:$0x3FAD] =	sst s5  }
0xe: {  	[smem:$0x3FAE] =	sst s6  }
0xf: {  	[smem:$0x3FAF] =	sst s7  }
0x10: {  	[smem:$0x3FB0] =	sst s8  }
0x11: {  	[smem:$0x3FB1] =	sst s9;
	s0 =	simm.s32 @!p0 $0x0  }
0x12: {  	s1 =	sld [smem:$0x3F97];
	s0 =	simm.s32 @p0 $0x1  }
0x13: {  	[smem:$0x3FB2] =	sst s0;
	s0 =	simm.s32 @!p1 $0x0  }
0x14: {  	s2 =	sld [smem:$0x3F96];
	s0 =	simm.s32 @p1 $0x1  }
0x15: {  	[smem:$0x3FB3] =	sst s0;
	s0 =	simm.s32 @!p2 $0x0  }
0x16: {  	s3 =	sld [smem:$0x3FDB];
	s0 =	simm.s32 @p2 $0x1  }
0x17: {  	s4 =	simm.s32 $0x1BF5;
	[smem:$0x3FB5] =	sst s0  }
0x18: {  	s0 =	sld [smem:$0x3F98];
	_ =	swait.ge [sflag:s4], $0x0  }
0x19: {  	s7 =	sld [smem:$0x3F99]  }
0x1a: {  	s8 =	sadd.s32 $0xFFFFE003, lr  }
0x1b: {  	s9 =	sadd.s32 $0xFFFFFEF7, lr;
	s5 =	simm.s32 $0xFFFFFFFF;
	p2 =	slt.u32 s8, $0xFFFFF086  }
0x1c: {  	p1 =	slt.u32 s9, $0xF7A;
	s5 =	simm.s32 @!p2 $0x0  }
0x1d: {  	s5 =	simm.s32 @p1 $0x1;
	p0 =	seq.s32 s7, s2  }
0x1e: {  	s7 =	smul.u32 @!p0 $0xF7A, s2;
	p2 =	seq.s32 @!p0 s5, $0x0  }
0x1f: {  	s9 =	smul.u32 $0xF7A, s1;
	s8 =	simm.s32 @!p0 $0x1BF5;
	p2 =	por !p2, p0  }
0x20: {  	[sflag:s8] =	ssyncset.s32 @!p0 $0xFFFFF086;
	s6 =	sadd.s32 @!p0 s3, s7;
	s7 =	simm.s32 @!p0 $0x108  }
0x21: {  	s3 =	sadd.s32 s3, s9;
	s6 =	sadd.s32 @!p0 $0x88, s6;
	s7 =	simm.s32 @p2 $0x1082  }
0x22: {  	[simem:s7], [sflag:s8] =	dma.local @!p0 [hbm:s6], $0xF7A  }
0x23: {  	s9 =	sor.u32 $0xD0000000, s2;
	s6 =	simm.s32 $0x108;
	_ =	swait.ge @!p0 [sflag:s8], $0x0  }
0x24: {  	s3 =	sadd.s32 $0x88, s3;
	s6 =	simm.s32 @!p1 $0x1082;
	[sflag:s4] =	ssyncset.s32 $0xFFFFF086  }
0x25: {  	[simem:s6], [sflag:s4] =	dma.local [hbm:s3], $0xF7A  }
0x26: {  	[smem:$0x3F99] =	sst s1;
	(tag) =	ssettag s2;
	_ =	strace s9  }
0x27: {  	s1 =	sld [smem:$0x3FA9]  }
0x28: {  	s2 =	sld [smem:$0x3FAA]  }
0x29: {  	s4 =	sld [smem:$0x3FAC]  }
0x2a: {  	p0 =	seq.s32 s5, $0x0;
	s5 =	sld [smem:$0x3FAD]  }
0x2b: {  	s6 =	sld [smem:$0x3FAE]  }
0x2c: {  	s7 =	sld [smem:$0x3FAF]  }
0x2d: {  	s3 =	simm.s32 $0x108;
	s8 =	sld [smem:$0x3FB0]  }
0x2e: {  	s3 =	simm.s32 @!p0 $0x1082;
	s9 =	sld [smem:$0x3FB1]  }
0x2f: {  	lr =	sadd.s32 s0, s3;
	s0 =	sld [smem:$0x3FA8]  }
0x30: {  	s3 =	sld [smem:$0x3FAB]  }
0x31: {  	[smem:$0x3FB4] =	sst s10  }
0x32: {  	s10 =	sld [smem:$0x3FB2];
	_ =	sdelay $0x3  }
0x33: {  	p0 =	seq.s32 s10, $0x1;
	s10 =	sld [smem:$0x3FB4];
	_ =	sdelay $0x3  }
0x34: {  	[smem:$0x3FB4] =	sst s10  }
0x35: {  	s10 =	sld [smem:$0x3FB3];
	_ =	sdelay $0x3  }
0x36: {  	p1 =	seq.s32 s10, $0x1;
	s10 =	sld [smem:$0x3FB4];
	_ =	sdelay $0x3  }
0x37: {  	[smem:$0x3FB4] =	sst s10  }
0x38: {  	s10 =	sld [smem:$0x3FB5]  }
0x39: {  	_ = 	snop;
	(pc) =	sbr.ind lr, $3  }
0x3a: {  	_ = 	snop  }
0x3b: {  	_ = 	snop  }
0x3c: {  	p2 =	seq.s32 s10, $0x1;
	s10 =	sld [smem:$0x3FB4]  }
0x3d: {  	_ =	shalt  }
0x3e: {  	_ =	shalt  }
0x3f: {  	_ =	shalt  }
0x40: {  	_ =	shalt  }
0x41: {  	_ =	shalt  }
0x42: {  	_ =	shalt  }
0x43: {  	_ =	shalt  }
0x44: {  	_ =	shalt  }
0x45: {  	_ =	shalt  }
0x46: {  	_ =	shalt  }
0x47: {  	_ =	shalt  }
0x48: {  	_ =	shalt  }
0x49: {  	_ =	shalt  }
0x4a: {  	_ =	shalt  }
0x4b: {  	_ =	shalt  }
0x4c: {  	_ =	shalt  }
0x4d: {  	_ =	shalt  }
0x4e: {  	_ =	shalt  }
0x4f: {  	_ =	shalt  }
0x50: {  	_ =	shalt  }
0x51: {  	_ =	shalt  }
0x52: {  	_ =	shalt  }
0x53: {  	_ =	shalt  }
0x54: {  	_ =	shalt  }
0x55: {  	_ =	shalt  }
0x56: {  	_ =	shalt  }
0x57: {  	_ =	shalt  }
0x58: {  	_ =	shalt  }
0x59: {  	_ =	shalt  }
0x5a: {  	_ =	shalt  }
0x5b: {  	_ =	shalt  }
0x5c: {  	_ =	shalt  }
0x5d: {  	_ =	shalt  }
0x5e: {  	_ =	shalt  }
0x5f: {  	_ =	shalt  }
0x60: {  	_ =	shalt  }
0x61: {  	_ =	shalt  }
0x62: {  	_ =	shalt  }
0x63: {  	_ =	shalt  }
0x64: {  	_ =	shalt  }
0x65: {  	_ =	shalt  }
0x66: {  	_ =	shalt  }
0x67: {  	_ =	shalt  }
0x68: {  	_ =	shalt  }
0x69: {  	_ =	shalt  }
0x6a: {  	_ =	shalt  }
0x6b: {  	_ =	shalt  }
0x6c: {  	_ =	shalt  }
0x6d: {  	_ =	shalt  }
0x6e: {  	_ =	shalt  }
0x6f: {  	_ =	shalt  }
0x70: {  	_ =	shalt  }
0x71: {  	_ =	shalt  }
0x72: {  	_ =	shalt  }
0x73: {  	_ =	shalt  }
0x74: {  	_ =	shalt  }
0x75: {  	_ =	shalt  }
0x76: {  	_ =	shalt  }
0x77: {  	_ =	shalt  }
0x78: {  	_ =	shalt  }
0x79: {  	_ =	shalt  }
0x7a: {  	_ =	shalt  }
0x7b: {  	_ =	shalt  }
0x7c: {  	_ =	shalt  }
0x7d: {  	_ =	shalt  }
0x7e: {  	_ =	shalt  }
0x7f: {  	_ =	shalt  }
0x80: {  	_ =	shalt  }
0x81: {  	_ =	shalt  }
0x82: {  	_ =	shalt  }
0x83: {  	_ =	shalt  }
0x84: {  	_ =	shalt  }
0x85: {  	_ =	shalt  }
0x86: {  	_ =	shalt  }
0x87: {  	_ =	shalt  }
.Lfunc_end0:
.L_simem_size_0:
called_computation_lowered:
.L_overlay_start_0:
0x88: {  	s2 =	sld [smem:$0x3FD9]  }
0x89: {  	s3 =	sld [smem:$0x3FFE];
	_ =	sdelay $0x1  }
0x8a: {  	s1 =	srdreg.scid  }
0x8b: {  	s0 =	sand.u32 $0x1, s1  }
0x8c: {  	s17 =	sshll.u32 s0, $0xA;
	s2 =	sadd.s32 s3, s2  }
0x8d: {  	s2 =	sadd.s32 s2, s17  }
0x8e: {  	[smem:$0x3FC0] =	sst s2  }
0x8f: {  	_ = 	snop  }
0x90: {  	s2 =	sld [smem:$0x3FD0];
	(tm) =	ssettm $0x1  }
0x91: {  	s18 =	sld [smem:$0x3FFB];
	_ =	sdelay $0x3  }
0x92: {  	_ =	strace s18  }
0x93: {  	s3 =	sld [smem:$0x3FFC];
	_ =	sdelay $0x3  }
0x94: {  	_ =	strace s3  }
0x95: {  	s3 =	sld [smem:$0x3FFD];
	_ =	sdelay $0x3  }
0x96: {  	_ =	strace s3  }
0x97: {  	_ =	strace $0x8FFFFFFF  }
0x98: {  	s19 =	sld [smem:$0x3FDB];
	_ =	sdelay $0x1  }
0x99: {  	s4 =	simm.s32 $_scs_section_size  }
0x9a: {  	s5 =	simm.s32 $_size__tile_overlayer_lowered;
	s6 =	simm.s32 $_tile_overlayer_lowered  }
0x9b: {  	s22 =	simm.s32 $0x1BFF;
	s21 =	sshll.u32 s6, $0x1;
	s3 =	sadd.s32 s4, s19  }
0x9c: {  	s7 =	simm.s32 $0x0;
	s20 =	sshll.u32 s5, $0x1;
	s5 =	sadd.s32 s21, s3  }
0x9d: {  	[timem:s7], [sflag:s22] =	dma.local [hbm:s5], s20  }
0x9e: {  	_ =	swait.ge [sflag:s22], s20  }
0x9f: {  	s4 =	ssub.s32 $0x0, s20;
	[sflag:s22] =	ssyncset.done $0x0  }
0xa0: {  	[sflag:s22] =	ssyncadd.s32 s4;
	_ =	sdelay $0x1  }
0xa1: {  	s23 =	simm.s32 $0x1B8B  }
0xa2: {  	_ =	swait.ge [sflag:s23], $0x1  }
0xa3: {  	[sflag:s23] =	ssyncset.done $0x0  }
0xa4: {  	s25 =	simm.s32 $0x1B8E;
	s24 =	sld [smem:$0x3FFE];
	[sflag:s23] =	ssyncadd.s32 $0xFFFFFFFF  }
0xa5: {  	s26 =	simm.s32 $execute0_lowered;
	[smem:$0x3FD2] =	sst s25  }
0xa6: {  	s5 =	sshll.u32 s26, $0x1;
	_ =	strace $0x80000046;
	[dreg:$0x1] =	wrdreg $0xFFFFFFFF  }
0xa7: {  	s28 =	simm.s32 $_size_execute0_lowered;
	s3 =	sadd.s32 s3, s5;
	[dreg:$0x0] =	wrdreg $0x0  }
0xa8: {  	s5 =	sshll.u32 s28, $0x1;
	[dreg:$0x2] =	wrdreg s3  }
0xa9: {  	[dreg:$0x3] =	wrdreg s5  }
0xaa: {  	[dreg:$0x4] =	wrdreg $0xC0  }
0xab: {  	_ =	task [dreg:s7], $0x5FFFF  }
0xac: {  	[dreg:$0x1] =	wrdreg $0xFFFFFFFF  }
0xad: {  	[dreg:$0x0] =	wrdreg $0x60  }
0xae: {  	[dreg:$0x2] =	wrdreg s24  }
0xaf: {  	[dreg:$0x3] =	wrdreg s2  }
0xb0: {  	[dreg:$0x4] =	wrdreg $0x68800  }
0xb1: {  	[dreg:$0x5] =	wrdreg $0x9  }
0xb2: {  	_ =	task.clear_ibuf [dreg:s7], $0x6FFFF;
	_ =	strace $0x90000046  }
0xb3: {  	s29 =	simm.s32 $0x9;
	_ =	strace $0x80000048  }
0xb4: {  	_ =	swait.ge [sflag:s29], $0x1  }
0xb5: {  	[sflag:s29] =	ssyncadd.s32 $0xFFFFFFFF  }
0xb6: {  	_ =	strace $0x90000048  }
0xb7: {  	_ =	sfence  }
0xb8: {  	s30 =	sld [smem:$0x0];
	_ =	sdelay $0x2  }
0xb9: {  	s31 =	sshll.u32 s1, $0xD;
	s1 =	sshrl.u32 s1, $0x2  }
0xba: {  	s3 =	sand.u32 $0x4000, s31;
	s1 =	sadd.s32 s1, s30  }
0xbb: {  	s0 =	sor.u32 s3, s0;
	s1 =	sshll.u32 s1, $0x11  }
0xbc: {  	s0 =	sor.u32 s1, s0  }
0xbd: {  	s0 =	sadd.s32 $0x8F2B, s0  }
0xbe: {  	[sflag:s0] =	ssyncadd.remote.s32 $0x1  }
0xbf: {  	_ =	sfence.sel $0xFFFF  }
0xc0: {  	[dreg:$0x0] =	wrdreg $0xFFFFFFFF;
	(pc) =	sbr.abs _section_cstart, $3  }
0xc1: {  	[dreg:$0x1] =	wrdreg $0xFFFFFFFF  }
0xc2: {  	_ =	task.clear_ibuf [dreg:s7], $0x2FFFF;
	_ =	strace $0x9FFFFFFF  }
0xc3: {  	(tm) =	ssettm $0x7FFFFFFF  }
tec
execute0_lowered:
.L_overlay_start_1:
0x0: {  	(tag) =	ssettag $0x1  }
0x1: {  	s4 =	rddreg [dreg:$0x0]  }
0x2: {  	s6 =	rddreg [dreg:$0x1]  }
0x3: {  	s1 =	rddreg [dreg:$0x2]  }
0x4: {  	s0 =	rddreg [dreg:$0x3];
	s2 =	simm.s32 $0x0;
	s8 =	stileid.u32  }
0x5: {  	s5 =	srdreg.scid;
	s12 =	simm.s32 $0x50;
	s13 =	simm.s32 $0x0  }
0x6: {  	[smem:$0x7FF] =	sst s2;
	s3 =	sshll.u32 s8, $0xB;
	s5 =	sand.u32 $0x1, s5  }
0x7: {  	p0 =	sne.s32 s8, $0x0;
	s8 =	simm.s32 $0x1;
	_ =	strace $0x80000047  }
0x8: {  	s7 =	sadd.s32 s3, s4;
	s3 =	sadd.s32 $0x12000, s4;
	s9 =	ssub.s32 $0x2, s5  }
0x9: {  	s10 =	sshll.u32 s5, $0xF;
	s31 =	smul.u32 $0x500, s5;
	s4 =	sadd.s32 $0x11E00, s4  }
0xa: {  	s11 =	sshrl.u32 s9, $0x1;
	s7 =	sadd.s32 s10, s7;
	s10 =	simm.s32 $0x6800  }
0xb: {  	s9 =	ssub.s32 s9, s11;
	s5 =	sadd.s32 $0x1E00, s7;
	s6 =	sadd.s32 s6, s31  }
0xc: {  	v0 =	vimm.f32 $1.000000000e+00;
	s11 =	sshrl.u32 @!p0 s1, $0x3;
	s7 =	smax.u32 s9, $0x1;
	s9 =	simm.s32 $0x4000  }
.LBB2_1:
0xd: {  	[tilespmem:s2], [sflag:$0x1] =	stream.linear.gather [hbm4b:s5+s2], $0x3E80, $0x38;
	[tilespmem:$0x6B00] =	vst v63  }
0xe: {  	_ =	swait.ge [sflag:s8], $0x3E80  }
0xf: {  	[sflag:s8] =	ssyncset.done $0x0  }
0x10: {  	[sflag:s8] =	ssyncadd.s32 $0xFFFFC180  }
0x11: {  	[tilespmem:s9], [sflag:$0x1] =	stream.linear.gather [hbm4b:s3+s2], $0x2800, $0x38;
	[tilespmem:$0x6B00] =	vst v63  }
0x12: {  	_ =	swait.ge [sflag:s8], $0x2800  }
0x13: {  	[sflag:s8] =	ssyncset.done $0x0  }
0x14: {  	[sflag:s8] =	ssyncadd.s32 $0xFFFFD800  }
0x15: {  	[tilespmem:s10], [sflag:$0x1] =	stream.linear.gather [hbm4b:s4+s2], $0x80, $0x38;
	[tilespmem:$0x6B00] =	vst v63  }
0x16: {  	_ =	swait.ge [sflag:s8], $0x80  }
0x17: {  	[sflag:s8] =	ssyncset.done $0x0  }
0x18: {  	s14 =	simm.s32 @!p0 $0x1C01;
	[sflag:s8] =	ssyncadd.s32 $0xFFFFFF80  }
0x19: {  	[spmem:s11], [sflag:s14] =	dma.local @!p0 [hbm:s3], $0x500  }
0x1a: {  	s14 =	simm.s32 @!p0 $0x1  }
0x1b: {  	_ =	swait.ge @!p0 [sflag:s14], $0x500  }
0x1c: {  	[sflag:s14] =	ssyncset.done @!p0 $0x0  }
0x1d: {  	[sflag:s14] =	ssyncadd.s32 @!p0 $0xFFFFFB00  }
0x1e: {  	s14 =	simm.s32 $0x100;
	[bflag:$0x0] =	sbarrier.arrive $0xFFFF  }
.LBB2_2:
0x1f: {  	s15 =	sshra.s32 s14, $0x2  }
0x20: {  	v1 =	vld [tilespmem:s15+$0xFFFFFFC0];
	_ =	sdelay $0x7  }
0x21: {  	[tilespmem:v1+s9+$0x0] =	vst.idx.add.f32.msk $0xffff, v0  }
0x22: {  	v1 =	vld [tilespmem:s15+$0xFFFFFFD0];
	_ =	sdelay $0x7  }
0x23: {  	[tilespmem:v1+s9+$0x0] =	vst.idx.add.f32.msk $0xffff, v0  }
0x24: {  	v1 =	vld [tilespmem:s15+$0xFFFFFFE0];
	_ =	sdelay $0x7  }
0x25: {  	[tilespmem:v1+s9+$0x0] =	vst.idx.add.f32.msk $0xffff, v0  }
0x26: {  	v1 =	vld [tilespmem:s15+$0xFFFFFFF0];
	_ =	sdelay $0x7  }
0x27: {  	[tilespmem:v1+s9+$0x0] =	vst.idx.add.f32.msk $0xffff, v0  }
0x28: {  	v1 =	vld [tilespmem:s15+$0x0];
	_ =	sdelay $0x2  }
0x29: {  	p1 =	sne.s32 s14, $0xF900  }
.Ltmp0:
0x2a: {  	_ = 	snop;
	(pc) =	sbr.rel @p1 .LBB2_2-.Ltmp0, $2  }
0x2b: {  	_ =	sdelay $0x2  }
0x2c: {  	s14 =	sadd.s32 $0x200, s14;
	[tilespmem:v1+s9+$0x0] =	vst.idx.add.f32.msk $0xffff, v0  }
0x2d: {  	[spmem:s1] =	stream.indirect.scatter.add.f32 [tilespmem:s9], [sflag:$0x1], $0x80, s10, s12, $0xb8;
	[tilespmem:$0x6B00] =	vst v63  }
0x2e: {  	_ =	swait.ge [sflag:s8], $0x2800  }
0x2f: {  	[sflag:s8] =	ssyncset.done $0x0  }
0x30: {  	s13 =	sadd.s32 $0x1, s13;
	[sflag:s8] =	ssyncadd.s32 $0xFFFFD800  }
0x31: {  	s14 =	simm.s32 @!p0 $0x1C01;
	p1 =	sne.s32 s13, s7;
	[bflag:$0x0] =	sbarrier.arrive $0xFFFF  }
0x32: {  	[hbm:s6], [sflag:s14] =	dma.local @!p0 [spmem:s11], $0x500  }
.Ltmp1:
0x33: {  	_ = 	snop;
	(pc) =	sbr.rel @p1 .LBB2_1-.Ltmp1, $4  }
0x34: {  	s14 =	simm.s32 @!p0 $0x1  }
0x35: {  	_ =	swait.ge @!p0 [sflag:s14], $0x500  }
0x36: {  	[sflag:s14] =	ssyncset.done @!p0 $0x0  }
0x37: {  	[sflag:s14] =	ssyncadd.s32 @!p0 $0xFFFFFB00  }
0x38: {  	_ =	sfence.sel $0x180000  }
0x39: {  	[bflag:$0x0] =	sbarrier.arrive $0xFFFF  }
0x3a: {  	_ =	strace $0x90000047  }
0x3b: {  	s0 =	sadd.s32 @!p0 $0x100000, s0;
	[bflag:$0x2] =	sbarrier.arrive $0xFFFF  }
0x3c: {  	[sflag:s0] =	ssyncadd.tile.s32 @!p0 $0x1;
	_ =	shalt  }
.Lfunc_end2:
_tile_overlayer_lowered:
.L_overlay_start_2:
0x3d: {  	(tag) =	ssettag $0x2  }
0x3e: {  	s0 =	rddreg [dreg:$0x0];
	s2 =	stileid.u32  }
0x3f: {  	s1 =	rddreg [dreg:$0x1];
	p0 =	sne.s32 s2, $0x0  }
0x40: {  	s3 =	rddreg [dreg:$0x2];
	[bflag:$0x3] =	sbarrier.arrive $0xFFFF;
	s2 =	simm.s32 @!p0 $0x1C01  }
0x41: {  	[timem:s3], [sflag:s2] =	dma.local @!p0 [hbm:s0], s1  }
0x42: {  	s0 =	simm.s32 @!p0 $0x1  }
0x43: {  	_ =	swait.ge @!p0 [sflag:s0], s1  }
0x44: {  	s1 =	ssub.s32 @!p0 $0x0, s1;
	[sflag:s0] =	ssyncset.done @!p0 $0x0  }
0x45: {  	[sflag:s0] =	ssyncadd.s32 @!p0 s1  }
0x46: {  	[bflag:$0x3] =	sbarrier.arrive $0xFFFF  }
0x47: {  	_ =	shalt  }

</sc_bundles>
